<compile_context>
chip_gen: v7x
topology: tpu7x:2x2x1
jax: 0.10.2.dev20260603
libtpu: 0.0.44.dev20260713+nightly
codegen_flags: <defaults>
</compile_context>

<pallas_src>
import functools

import jax
import jax.numpy as jnp
from jax import lax
from jax.experimental import pallas as pl
from jax.experimental.pallas import tpu as pltpu
from jax.experimental.pallas import tpu_sc as plsc

B = 16384
D = 16
NG = 1000000
NJ = 1000000
NC = 2
NS = 16
NW = NC * NS
BPW = B // NW
NCH = 4
CH = BPW // NCH


def _mf_body(gid_hbm, jid_hbm, g1_hbm, j1_hbm, g2_hbm, j2_hbm,
             gb1_hbm, jb1_hbm, gb2_hbm, jb2_hbm, w_hbm,
             out_hbm,
             gidx, jidx, g1v, j1v, g2v, j2v,
             gb1v, jb1v, gb2v, jb2v, wv, outv, sem):
    wid = lax.axis_index("s") * NC + lax.axis_index("c")
    base = wid * BPW

    descs = [pltpu.async_copy(w_hbm, wv, sem)]
    for c in range(NCH):
        descs.append(pltpu.async_copy(
            gid_hbm.at[pl.ds(base + c * CH, CH)], gidx.at[c], sem))
        descs.append(pltpu.async_copy(
            jid_hbm.at[pl.ds(base + c * CH, CH)], jidx.at[c], sem))
    for d_ in descs:
        d_.wait()

    descs = []
    for c in range(NCH):
        gi = gidx.at[c]
        ji = jidx.at[c]
        sl = pl.ds(c * CH, CH)
        descs.append(pltpu.async_copy(g1_hbm.at[gi], g1v.at[sl], sem))
        descs.append(pltpu.async_copy(j1_hbm.at[ji], j1v.at[sl], sem))
        descs.append(pltpu.async_copy(g2_hbm.at[gi], g2v.at[sl], sem))
        descs.append(pltpu.async_copy(j2_hbm.at[ji], j2v.at[sl], sem))
        descs.append(pltpu.async_copy(gb1_hbm.at[gi], gb1v.at[sl], sem))
        descs.append(pltpu.async_copy(jb1_hbm.at[ji], jb1v.at[sl], sem))
        descs.append(pltpu.async_copy(gb2_hbm.at[gi], gb2v.at[sl], sem))
        descs.append(pltpu.async_copy(jb2_hbm.at[ji], jb2v.at[sl], sem))
    for d_ in descs:
        d_.wait()

    iota16 = lax.iota(jnp.int32, 16)
    cv = wv[2]
    wa_vec = wv[0]
    wb_vec = wv[1]
    was = [wa_vec[d] for d in range(D)]
    wbs = [wb_vec[d] for d in range(D)]

    def blk_body(blk, carry):
        pv = iota16 + blk * 16
        bsl = pl.ds(blk * 16, 16)
        acc = cv + gb1v[bsl] + gb2v[bsl] + jb1v[bsl] + jb2v[bsl]
        for d in range(D):
            dsplat = jnp.full((16,), d, jnp.int32)
            a = plsc.load_gather(g1v, [pv, dsplat])
            b = plsc.load_gather(j1v, [pv, dsplat])
            c2 = plsc.load_gather(g2v, [pv, dsplat])
            e = plsc.load_gather(j2v, [pv, dsplat])
            acc = acc + a * b * was[d] + c2 * e * wbs[d]
        outv[bsl] = acc
        return carry

    lax.fori_loop(0, BPW // 16, blk_body, 0)

    pltpu.sync_copy(outv, out_hbm.at[pl.ds(base, BPW)])


_mf_call = functools.partial(
    pl.kernel,
    out_type=jax.ShapeDtypeStruct((B,), jnp.float32),
    mesh=plsc.VectorSubcoreMesh(core_axis_name="c", subcore_axis_name="s",
                                num_cores=NC, num_subcores=NS),
    scratch_types=[
        pltpu.VMEM((NCH, CH), jnp.int32),
        pltpu.VMEM((NCH, CH), jnp.int32),
        pltpu.VMEM((BPW, D), jnp.float32),
        pltpu.VMEM((BPW, D), jnp.float32),
        pltpu.VMEM((BPW, D), jnp.float32),
        pltpu.VMEM((BPW, D), jnp.float32),
        pltpu.VMEM((BPW,), jnp.float32),
        pltpu.VMEM((BPW,), jnp.float32),
        pltpu.VMEM((BPW,), jnp.float32),
        pltpu.VMEM((BPW,), jnp.float32),
        pltpu.VMEM((3, D), jnp.float32),
        pltpu.VMEM((BPW,), jnp.float32),
        pltpu.SemaphoreType.DMA,
    ],
    compiler_params=pltpu.CompilerParams(needs_layout_passes=False,
                                         use_tc_tiling_on_sc=False),
)(_mf_body)


def kernel(geek_id, job_id, geek_emb1, job_emb1, geek_emb2, job_emb2,
           geek_b1, job_b1, geek_b2, job_b2, W1, b1, W2, b2, miu1, miu2):
    w = (W1 @ W2)[:, 0]
    const = (b1 @ W2)[0] + b2[0] + miu1 + miu2
    wpack = jnp.stack([w[:D], w[D:], jnp.full((D,), const, jnp.float32)])
    return _mf_call(geek_id.astype(jnp.int32), job_id.astype(jnp.int32),
                    geek_emb1, job_emb1, geek_emb2, job_emb2,
                    geek_b1[:, 0], job_b1[:, 0], geek_b2[:, 0], job_b2[:, 0],
                    wpack)

# --- scband reference (transcript-rebuilt; emitter-appended) ---
"""Pipeline reference for scband-multi-mf-25417616457793 (READ-ONLY COPY).

The authoritative reference and input builder live on the scoring server;
editing this copy changes nothing except your own understanding.
"""

import jax, jax.numpy as jnp
import numpy as np

B = 16384
D = 16
H = 64
NG = 1000000
NJ = 1000000


def setup_inputs(seed: int = 0):
    key = jax.random.key(seed)
    ks = jax.random.split(key, 16)
    s = 1.0 / np.sqrt(D)
    inp = {
        "geek_id": jax.random.randint(ks[0], (B,), 0, NG),
        "job_id": jax.random.randint(ks[1], (B,), 0, NJ),
        "geek_emb1": jax.random.normal(ks[2], (NG, D), dtype=jnp.float32) * s,
        "job_emb1": jax.random.normal(ks[3], (NJ, D), dtype=jnp.float32) * s,
        "geek_emb2": jax.random.normal(ks[4], (NG, D), dtype=jnp.float32) * s,
        "job_emb2": jax.random.normal(ks[5], (NJ, D), dtype=jnp.float32) * s,
        "geek_b1": jax.random.normal(ks[6], (NG, 1), dtype=jnp.float32) * 0.01,
        "job_b1": jax.random.normal(ks[7], (NJ, 1), dtype=jnp.float32) * 0.01,
        "geek_b2": jax.random.normal(ks[8], (NG, 1), dtype=jnp.float32) * 0.01,
        "job_b2": jax.random.normal(ks[9], (NJ, 1), dtype=jnp.float32) * 0.01,
        "W1": jax.random.normal(ks[10], (2 * D, H), dtype=jnp.float32) * (1.0 / np.sqrt(2 * D)),
        "b1": jnp.zeros((H,), dtype=jnp.float32),
        "W2": jax.random.normal(ks[11], (H, 1), dtype=jnp.float32) * (1.0 / np.sqrt(H)),
        "b2": jnp.zeros((1,), dtype=jnp.float32),
        "miu1": jnp.float32(0.1),
        "miu2": jnp.float32(0.1),
    }
    return inp


def reference(geek_id, job_id, geek_emb1, job_emb1, geek_emb2, job_emb2,
              geek_b1, job_b1, geek_b2, job_b2, W1, b1, W2, b2, miu1, miu2):
    # MF_geek branch: elementwise product of geek/job embeddings
    vec_1 = jnp.take(geek_emb1, geek_id, axis=0) * jnp.take(job_emb1, job_id, axis=0)
    # MF_job branch
    vec_2 = jnp.take(geek_emb2, geek_id, axis=0) * jnp.take(job_emb2, job_id, axis=0)
    h = jnp.concatenate([vec_1, vec_2], axis=1)
    # MLP (dropout p=0.0 -> identity at inference)
    h = h @ W1 + b1
    score = (h @ W2 + b2)[:, 0]
    # bias terms from MF_job then MF_geek, as in the torch forward
    score = score + jnp.take(geek_b2, geek_id, axis=0)[:, 0] + jnp.take(job_b2, job_id, axis=0)[:, 0] + miu2
    score = score + jnp.take(geek_b1, geek_id, axis=0)[:, 0] + jnp.take(job_b1, job_id, axis=0)[:, 0] + miu1
    return score

if __name__ == "__main__":
    import jax
    _d = setup_inputs()
    print(jax.jit(kernel)(*tuple(_d.values())))

</pallas_src>

<mosaic_0001>
#map = affine_map<(d0, d1) -> (0)>
#map1 = affine_map<(d0, d1) -> (0, 0)>
module attributes {stable_mosaic.version = 14 : i64} {
  func.func @_mf_body(%arg0: i32, %arg1: i32, %arg2: memref<16384xi32, #tpu.memory_space<hbm>>, %arg3: memref<16384xi32, #tpu.memory_space<hbm>>, %arg4: memref<1000000x16xf32, #tpu.memory_space<hbm>>, %arg5: memref<1000000x16xf32, #tpu.memory_space<hbm>>, %arg6: memref<1000000x16xf32, #tpu.memory_space<hbm>>, %arg7: memref<1000000x16xf32, #tpu.memory_space<hbm>>, %arg8: memref<1000000xf32, #tpu.memory_space<hbm>>, %arg9: memref<1000000xf32, #tpu.memory_space<hbm>>, %arg10: memref<1000000xf32, #tpu.memory_space<hbm>>, %arg11: memref<1000000xf32, #tpu.memory_space<hbm>>, %arg12: memref<3x16xf32, #tpu.memory_space<hbm>>, %arg13: memref<16384xf32, #tpu.memory_space<hbm>>, %arg14: memref<4x128xi32, #tpu.memory_space<vmem>>, %arg15: memref<4x128xi32, #tpu.memory_space<vmem>>, %arg16: memref<512x16xf32, #tpu.memory_space<vmem>>, %arg17: memref<512x16xf32, #tpu.memory_space<vmem>>, %arg18: memref<512x16xf32, #tpu.memory_space<vmem>>, %arg19: memref<512x16xf32, #tpu.memory_space<vmem>>, %arg20: memref<512xf32, #tpu.memory_space<vmem>>, %arg21: memref<512xf32, #tpu.memory_space<vmem>>, %arg22: memref<512xf32, #tpu.memory_space<vmem>>, %arg23: memref<512xf32, #tpu.memory_space<vmem>>, %arg24: memref<3x16xf32, #tpu.memory_space<vmem>>, %arg25: memref<512xf32, #tpu.memory_space<vmem>>, %arg26: memref<!tpu.dma_semaphore, #tpu.memory_space<semaphore_mem>>) attributes {dimension_semantics = [#tpu.dimension_semantics<core_parallel>, #tpu.dimension_semantics<subcore_parallel>], iteration_bounds = array<i64: 2, 16>, scalar_prefetch = 0 : i64, scratch_operands = 13 : i64, tpu.core_type = #tpu.core_type<sc_vector_subcore>, window_params = [{transform_indices = #map}, {transform_indices = #map}, {transform_indices = #map1}, {transform_indices = #map1}, {transform_indices = #map1}, {transform_indices = #map1}, {transform_indices = #map}, {transform_indices = #map}, {transform_indices = #map}, {transform_indices = #map}, {transform_indices = #map1}, {transform_indices = #map}]} {
    %mul3A = arith.constant 2 : i32
    %mul3A_0 = arith.muli %arg1, %mul3A : i32
    %add3A = arith.addi %mul3A_0, %arg0 : i32
    %mul3A_1 = arith.constant 512 : i32
    %mul3A_2 = arith.muli %add3A, %mul3A_1 : i32
    tpu.enqueue_dma source(%arg12 : memref<3x16xf32, #tpu.memory_space<hbm>>) target(%arg24 : memref<3x16xf32, #tpu.memory_space<vmem>>) target_semaphore(%arg26 : memref<!tpu.dma_semaphore, #tpu.memory_space<semaphore_mem>>)
    %add3A_3 = arith.constant 0 : i32
    %add3A_4 = arith.addi %mul3A_2, %add3A_3 : i32
    %dma_start3A = arith.constant 0 : i32
    %dma_start3A_5 = arith.constant 0 : i32
    %dma_start3A_6 = tpu.memref_slice %arg14[%dma_start3A, %dma_start3A_5] : memref<4x128xi32, #tpu.memory_space<vmem>> -> memref<1x128xi32, #tpu.memory_space<vmem>>
    %dma_start3A_7 = tpu.memref_squeeze %dma_start3A_6 : memref<1x128xi32, #tpu.memory_space<vmem>> -> memref<128xi32, #tpu.memory_space<vmem>>
    %dma_start3A_8 = tpu.memref_slice %arg2[%add3A_4] : memref<16384xi32, #tpu.memory_space<hbm>> -> memref<128xi32, #tpu.memory_space<hbm>>
    %dma_start3A_9 = arith.constant 0 : i32
    %dma_start3A_10 = tpu.memref_slice %arg14[%dma_start3A, %dma_start3A_9] : memref<4x128xi32, #tpu.memory_space<vmem>> -> memref<1x128xi32, #tpu.memory_space<vmem>>
    %dma_start3A_11 = tpu.memref_squeeze %dma_start3A_10 : memref<1x128xi32, #tpu.memory_space<vmem>> -> memref<128xi32, #tpu.memory_space<vmem>>
    %dma_start3A_12 = tpu.memref_slice %arg2[%add3A_4] : memref<16384xi32, #tpu.memory_space<hbm>> -> memref<128xi32, #tpu.memory_space<hbm>>
    tpu.enqueue_dma source(%dma_start3A_12 : memref<128xi32, #tpu.memory_space<hbm>>) target(%dma_start3A_11 : memref<128xi32, #tpu.memory_space<vmem>>) target_semaphore(%arg26 : memref<!tpu.dma_semaphore, #tpu.memory_space<semaphore_mem>>)
    %add3A_13 = arith.constant 0 : i32
    %add3A_14 = arith.addi %mul3A_2, %add3A_13 : i32
    %dma_start3A_15 = arith.constant 0 : i32
    %dma_start3A_16 = arith.constant 0 : i32
    %dma_start3A_17 = tpu.memref_slice %arg15[%dma_start3A_15, %dma_start3A_16] : memref<4x128xi32, #tpu.memory_space<vmem>> -> memref<1x128xi32, #tpu.memory_space<vmem>>
    %dma_start3A_18 = tpu.memref_squeeze %dma_start3A_17 : memref<1x128xi32, #tpu.memory_space<vmem>> -> memref<128xi32, #tpu.memory_space<vmem>>
    %dma_start3A_19 = tpu.memref_slice %arg3[%add3A_14] : memref<16384xi32, #tpu.memory_space<hbm>> -> memref<128xi32, #tpu.memory_space<hbm>>
    %dma_start3A_20 = arith.constant 0 : i32
    %dma_start3A_21 = tpu.memref_slice %arg15[%dma_start3A_15, %dma_start3A_20] : memref<4x128xi32, #tpu.memory_space<vmem>> -> memref<1x128xi32, #tpu.memory_space<vmem>>
    %dma_start3A_22 = tpu.memref_squeeze %dma_start3A_21 : memref<1x128xi32, #tpu.memory_space<vmem>> -> memref<128xi32, #tpu.memory_space<vmem>>
    %dma_start3A_23 = tpu.memref_slice %arg3[%add3A_14] : memref<16384xi32, #tpu.memory_space<hbm>> -> memref<128xi32, #tpu.memory_space<hbm>>
    tpu.enqueue_dma source(%dma_start3A_23 : memref<128xi32, #tpu.memory_space<hbm>>) target(%dma_start3A_22 : memref<128xi32, #tpu.memory_space<vmem>>) target_semaphore(%arg26 : memref<!tpu.dma_semaphore, #tpu.memory_space<semaphore_mem>>)
    %add3A_24 = arith.constant 128 : i32
    %add3A_25 = arith.addi %mul3A_2, %add3A_24 : i32
    %dma_start3A_26 = arith.constant 1 : i32
    %dma_start3A_27 = arith.constant 0 : i32
    %dma_start3A_28 = tpu.memref_slice %arg14[%dma_start3A_26, %dma_start3A_27] : memref<4x128xi32, #tpu.memory_space<vmem>> -> memref<1x128xi32, #tpu.memory_space<vmem>>
    %dma_start3A_29 = tpu.memref_squeeze %dma_start3A_28 : memref<1x128xi32, #tpu.memory_space<vmem>> -> memref<128xi32, #tpu.memory_space<vmem>>
    %dma_start3A_30 = tpu.memref_slice %arg2[%add3A_25] : memref<16384xi32, #tpu.memory_space<hbm>> -> memref<128xi32, #tpu.memory_space<hbm>>
    %dma_start3A_31 = arith.constant 0 : i32
    %dma_start3A_32 = tpu.memref_slice %arg14[%dma_start3A_26, %dma_start3A_31] : memref<4x128xi32, #tpu.memory_space<vmem>> -> memref<1x128xi32, #tpu.memory_space<vmem>>
    %dma_start3A_33 = tpu.memref_squeeze %dma_start3A_32 : memref<1x128xi32, #tpu.memory_space<vmem>> -> memref<128xi32, #tpu.memory_space<vmem>>
    %dma_start3A_34 = tpu.memref_slice %arg2[%add3A_25] : memref<16384xi32, #tpu.memory_space<hbm>> -> memref<128xi32, #tpu.memory_space<hbm>>
    tpu.enqueue_dma source(%dma_start3A_34 : memref<128xi32, #tpu.memory_space<hbm>>) target(%dma_start3A_33 : memref<128xi32, #tpu.memory_space<vmem>>) target_semaphore(%arg26 : memref<!tpu.dma_semaphore, #tpu.memory_space<semaphore_mem>>)
    %add3A_35 = arith.constant 128 : i32
    %add3A_36 = arith.addi %mul3A_2, %add3A_35 : i32
    %dma_start3A_37 = arith.constant 1 : i32
    %dma_start3A_38 = arith.constant 0 : i32
    %dma_start3A_39 = tpu.memref_slice %arg15[%dma_start3A_37, %dma_start3A_38] : memref<4x128xi32, #tpu.memory_space<vmem>> -> memref<1x128xi32, #tpu.memory_space<vmem>>
    %dma_start3A_40 = tpu.memref_squeeze %dma_start3A_39 : memref<1x128xi32, #tpu.memory_space<vmem>> -> memref<128xi32, #tpu.memory_space<vmem>>
    %dma_start3A_41 = tpu.memref_slice %arg3[%add3A_36] : memref<16384xi32, #tpu.memory_space<hbm>> -> memref<128xi32, #tpu.memory_space<hbm>>
    %dma_start3A_42 = arith.constant 0 : i32
    %dma_start3A_43 = tpu.memref_slice %arg15[%dma_start3A_37, %dma_start3A_42] : memref<4x128xi32, #tpu.memory_space<vmem>> -> memref<1x128xi32, #tpu.memory_space<vmem>>
    %dma_start3A_44 = tpu.memref_squeeze %dma_start3A_43 : memref<1x128xi32, #tpu.memory_space<vmem>> -> memref<128xi32, #tpu.memory_space<vmem>>
    %dma_start3A_45 = tpu.memref_slice %arg3[%add3A_36] : memref<16384xi32, #tpu.memory_space<hbm>> -> memref<128xi32, #tpu.memory_space<hbm>>
    tpu.enqueue_dma source(%dma_start3A_45 : memref<128xi32, #tpu.memory_space<hbm>>) target(%dma_start3A_44 : memref<128xi32, #tpu.memory_space<vmem>>) target_semaphore(%arg26 : memref<!tpu.dma_semaphore, #tpu.memory_space<semaphore_mem>>)
    %add3A_46 = arith.constant 256 : i32
    %add3A_47 = arith.addi %mul3A_2, %add3A_46 : i32
    %dma_start3A_48 = arith.constant 2 : i32
    %dma_start3A_49 = arith.constant 0 : i32
    %dma_start3A_50 = tpu.memref_slice %arg14[%dma_start3A_48, %dma_start3A_49] : memref<4x128xi32, #tpu.memory_space<vmem>> -> memref<1x128xi32, #tpu.memory_space<vmem>>
    %dma_start3A_51 = tpu.memref_squeeze %dma_start3A_50 : memref<1x128xi32, #tpu.memory_space<vmem>> -> memref<128xi32, #tpu.memory_space<vmem>>
    %dma_start3A_52 = tpu.memref_slice %arg2[%add3A_47] : memref<16384xi32, #tpu.memory_space<hbm>> -> memref<128xi32, #tpu.memory_space<hbm>>
    %dma_start3A_53 = arith.constant 0 : i32
    %dma_start3A_54 = tpu.memref_slice %arg14[%dma_start3A_48, %dma_start3A_53] : memref<4x128xi32, #tpu.memory_space<vmem>> -> memref<1x128xi32, #tpu.memory_space<vmem>>
    %dma_start3A_55 = tpu.memref_squeeze %dma_start3A_54 : memref<1x128xi32, #tpu.memory_space<vmem>> -> memref<128xi32, #tpu.memory_space<vmem>>
    %dma_start3A_56 = tpu.memref_slice %arg2[%add3A_47] : memref<16384xi32, #tpu.memory_space<hbm>> -> memref<128xi32, #tpu.memory_space<hbm>>
    tpu.enqueue_dma source(%dma_start3A_56 : memref<128xi32, #tpu.memory_space<hbm>>) target(%dma_start3A_55 : memref<128xi32, #tpu.memory_space<vmem>>) target_semaphore(%arg26 : memref<!tpu.dma_semaphore, #tpu.memory_space<semaphore_mem>>)
    %add3A_57 = arith.constant 256 : i32
    %add3A_58 = arith.addi %mul3A_2, %add3A_57 : i32
    %dma_start3A_59 = arith.constant 2 : i32
    %dma_start3A_60 = arith.constant 0 : i32
    %dma_start3A_61 = tpu.memref_slice %arg15[%dma_start3A_59, %dma_start3A_60] : memref<4x128xi32, #tpu.memory_space<vmem>> -> memref<1x128xi32, #tpu.memory_space<vmem>>
    %dma_start3A_62 = tpu.memref_squeeze %dma_start3A_61 : memref<1x128xi32, #tpu.memory_space<vmem>> -> memref<128xi32, #tpu.memory_space<vmem>>
    %dma_start3A_63 = tpu.memref_slice %arg3[%add3A_58] : memref<16384xi32, #tpu.memory_space<hbm>> -> memref<128xi32, #tpu.memory_space<hbm>>
    %dma_start3A_64 = arith.constant 0 : i32
    %dma_start3A_65 = tpu.memref_slice %arg15[%dma_start3A_59, %dma_start3A_64] : memref<4x128xi32, #tpu.memory_space<vmem>> -> memref<1x128xi32, #tpu.memory_space<vmem>>
    %dma_start3A_66 = tpu.memref_squeeze %dma_start3A_65 : memref<1x128xi32, #tpu.memory_space<vmem>> -> memref<128xi32, #tpu.memory_space<vmem>>
    %dma_start3A_67 = tpu.memref_slice %arg3[%add3A_58] : memref<16384xi32, #tpu.memory_space<hbm>> -> memref<128xi32, #tpu.memory_space<hbm>>
    tpu.enqueue_dma source(%dma_start3A_67 : memref<128xi32, #tpu.memory_space<hbm>>) target(%dma_start3A_66 : memref<128xi32, #tpu.memory_space<vmem>>) target_semaphore(%arg26 : memref<!tpu.dma_semaphore, #tpu.memory_space<semaphore_mem>>)
    %add3A_68 = arith.constant 384 : i32
    %add3A_69 = arith.addi %mul3A_2, %add3A_68 : i32
    %dma_start3A_70 = arith.constant 3 : i32
    %dma_start3A_71 = arith.constant 0 : i32
    %dma_start3A_72 = tpu.memref_slice %arg14[%dma_start3A_70, %dma_start3A_71] : memref<4x128xi32, #tpu.memory_space<vmem>> -> memref<1x128xi32, #tpu.memory_space<vmem>>
    %dma_start3A_73 = tpu.memref_squeeze %dma_start3A_72 : memref<1x128xi32, #tpu.memory_space<vmem>> -> memref<128xi32, #tpu.memory_space<vmem>>
    %dma_start3A_74 = tpu.memref_slice %arg2[%add3A_69] : memref<16384xi32, #tpu.memory_space<hbm>> -> memref<128xi32, #tpu.memory_space<hbm>>
    %dma_start3A_75 = arith.constant 0 : i32
    %dma_start3A_76 = tpu.memref_slice %arg14[%dma_start3A_70, %dma_start3A_75] : memref<4x128xi32, #tpu.memory_space<vmem>> -> memref<1x128xi32, #tpu.memory_space<vmem>>
    %dma_start3A_77 = tpu.memref_squeeze %dma_start3A_76 : memref<1x128xi32, #tpu.memory_space<vmem>> -> memref<128xi32, #tpu.memory_space<vmem>>
    %dma_start3A_78 = tpu.memref_slice %arg2[%add3A_69] : memref<16384xi32, #tpu.memory_space<hbm>> -> memref<128xi32, #tpu.memory_space<hbm>>
    tpu.enqueue_dma source(%dma_start3A_78 : memref<128xi32, #tpu.memory_space<hbm>>) target(%dma_start3A_77 : memref<128xi32, #tpu.memory_space<vmem>>) target_semaphore(%arg26 : memref<!tpu.dma_semaphore, #tpu.memory_space<semaphore_mem>>)
    %add3A_79 = arith.constant 384 : i32
    %add3A_80 = arith.addi %mul3A_2, %add3A_79 : i32
    %dma_start3A_81 = arith.constant 3 : i32
    %dma_start3A_82 = arith.constant 0 : i32
    %dma_start3A_83 = tpu.memref_slice %arg15[%dma_start3A_81, %dma_start3A_82] : memref<4x128xi32, #tpu.memory_space<vmem>> -> memref<1x128xi32, #tpu.memory_space<vmem>>
    %dma_start3A_84 = tpu.memref_squeeze %dma_start3A_83 : memref<1x128xi32, #tpu.memory_space<vmem>> -> memref<128xi32, #tpu.memory_space<vmem>>
    %dma_start3A_85 = tpu.memref_slice %arg3[%add3A_80] : memref<16384xi32, #tpu.memory_space<hbm>> -> memref<128xi32, #tpu.memory_space<hbm>>
    %dma_start3A_86 = arith.constant 0 : i32
    %dma_start3A_87 = tpu.memref_slice %arg15[%dma_start3A_81, %dma_start3A_86] : memref<4x128xi32, #tpu.memory_space<vmem>> -> memref<1x128xi32, #tpu.memory_space<vmem>>
    %dma_start3A_88 = tpu.memref_squeeze %dma_start3A_87 : memref<1x128xi32, #tpu.memory_space<vmem>> -> memref<128xi32, #tpu.memory_space<vmem>>
    %dma_start3A_89 = tpu.memref_slice %arg3[%add3A_80] : memref<16384xi32, #tpu.memory_space<hbm>> -> memref<128xi32, #tpu.memory_space<hbm>>
    tpu.enqueue_dma source(%dma_start3A_89 : memref<128xi32, #tpu.memory_space<hbm>>) target(%dma_start3A_88 : memref<128xi32, #tpu.memory_space<vmem>>) target_semaphore(%arg26 : memref<!tpu.dma_semaphore, #tpu.memory_space<semaphore_mem>>)
    tpu.wait_dma2 semaphore(%arg26 : memref<!tpu.dma_semaphore, #tpu.memory_space<semaphore_mem>>) src(%arg12 : memref<3x16xf32, #tpu.memory_space<hbm>>) dst(%arg24 : memref<3x16xf32, #tpu.memory_space<vmem>>)
    %dma_wait3A = arith.constant 0 : i32
    %dma_wait3A_90 = arith.constant 0 : i32
    %dma_wait3A_91 = tpu.memref_slice %arg14[%dma_wait3A, %dma_wait3A_90] : memref<4x128xi32, #tpu.memory_space<vmem>> -> memref<1x128xi32, #tpu.memory_space<vmem>>
    %dma_wait3A_92 = tpu.memref_squeeze %dma_wait3A_91 : memref<1x128xi32, #tpu.memory_space<vmem>> -> memref<128xi32, #tpu.memory_space<vmem>>
    %dma_wait3A_93 = tpu.memref_slice %arg2[%add3A_4] : memref<16384xi32, #tpu.memory_space<hbm>> -> memref<128xi32, #tpu.memory_space<hbm>>
    %dma_wait3A_94 = arith.constant 0 : i32
    %dma_wait3A_95 = tpu.memref_slice %arg14[%dma_wait3A, %dma_wait3A_94] : memref<4x128xi32, #tpu.memory_space<vmem>> -> memref<1x128xi32, #tpu.memory_space<vmem>>
    %dma_wait3A_96 = tpu.memref_squeeze %dma_wait3A_95 : memref<1x128xi32, #tpu.memory_space<vmem>> -> memref<128xi32, #tpu.memory_space<vmem>>
    %dma_wait3A_97 = tpu.memref_slice %arg2[%add3A_4] : memref<16384xi32, #tpu.memory_space<hbm>> -> memref<128xi32, #tpu.memory_space<hbm>>
    tpu.wait_dma2 semaphore(%arg26 : memref<!tpu.dma_semaphore, #tpu.memory_space<semaphore_mem>>) src(%dma_wait3A_97 : memref<128xi32, #tpu.memory_space<hbm>>) dst(%dma_wait3A_96 : memref<128xi32, #tpu.memory_space<vmem>>)
    %dma_wait3A_98 = arith.constant 0 : i32
    %dma_wait3A_99 = arith.constant 0 : i32
    %dma_wait3A_100 = tpu.memref_slice %arg15[%dma_wait3A_98, %dma_wait3A_99] : memref<4x128xi32, #tpu.memory_space<vmem>> -> memref<1x128xi32, #tpu.memory_space<vmem>>
    %dma_wait3A_101 = tpu.memref_squeeze %dma_wait3A_100 : memref<1x128xi32, #tpu.memory_space<vmem>> -> memref<128xi32, #tpu.memory_space<vmem>>
    %dma_wait3A_102 = tpu.memref_slice %arg3[%add3A_14] : memref<16384xi32, #tpu.memory_space<hbm>> -> memref<128xi32, #tpu.memory_space<hbm>>
    %dma_wait3A_103 = arith.constant 0 : i32
    %dma_wait3A_104 = tpu.memref_slice %arg15[%dma_wait3A_98, %dma_wait3A_103] : memref<4x128xi32, #tpu.memory_space<vmem>> -> memref<1x128xi32, #tpu.memory_space<vmem>>
    %dma_wait3A_105 = tpu.memref_squeeze %dma_wait3A_104 : memref<1x128xi32, #tpu.memory_space<vmem>> -> memref<128xi32, #tpu.memory_space<vmem>>
    %dma_wait3A_106 = tpu.memref_slice %arg3[%add3A_14] : memref<16384xi32, #tpu.memory_space<hbm>> -> memref<128xi32, #tpu.memory_space<hbm>>
    tpu.wait_dma2 semaphore(%arg26 : memref<!tpu.dma_semaphore, #tpu.memory_space<semaphore_mem>>) src(%dma_wait3A_106 : memref<128xi32, #tpu.memory_space<hbm>>) dst(%dma_wait3A_105 : memref<128xi32, #tpu.memory_space<vmem>>)
    %dma_wait3A_107 = arith.constant 1 : i32
    %dma_wait3A_108 = arith.constant 0 : i32
    %dma_wait3A_109 = tpu.memref_slice %arg14[%dma_wait3A_107, %dma_wait3A_108] : memref<4x128xi32, #tpu.memory_space<vmem>> -> memref<1x128xi32, #tpu.memory_space<vmem>>
    %dma_wait3A_110 = tpu.memref_squeeze %dma_wait3A_109 : memref<1x128xi32, #tpu.memory_space<vmem>> -> memref<128xi32, #tpu.memory_space<vmem>>
    %dma_wait3A_111 = tpu.memref_slice %arg2[%add3A_25] : memref<16384xi32, #tpu.memory_space<hbm>> -> memref<128xi32, #tpu.memory_space<hbm>>
    %dma_wait3A_112 = arith.constant 0 : i32
    %dma_wait3A_113 = tpu.memref_slice %arg14[%dma_wait3A_107, %dma_wait3A_112] : memref<4x128xi32, #tpu.memory_space<vmem>> -> memref<1x128xi32, #tpu.memory_space<vmem>>
    %dma_wait3A_114 = tpu.memref_squeeze %dma_wait3A_113 : memref<1x128xi32, #tpu.memory_space<vmem>> -> memref<128xi32, #tpu.memory_space<vmem>>
    %dma_wait3A_115 = tpu.memref_slice %arg2[%add3A_25] : memref<16384xi32, #tpu.memory_space<hbm>> -> memref<128xi32, #tpu.memory_space<hbm>>
    tpu.wait_dma2 semaphore(%arg26 : memref<!tpu.dma_semaphore, #tpu.memory_space<semaphore_mem>>) src(%dma_wait3A_115 : memref<128xi32, #tpu.memory_space<hbm>>) dst(%dma_wait3A_114 : memref<128xi32, #tpu.memory_space<vmem>>)
    %dma_wait3A_116 = arith.constant 1 : i32
    %dma_wait3A_117 = arith.constant 0 : i32
    %dma_wait3A_118 = tpu.memref_slice %arg15[%dma_wait3A_116, %dma_wait3A_117] : memref<4x128xi32, #tpu.memory_space<vmem>> -> memref<1x128xi32, #tpu.memory_space<vmem>>
    %dma_wait3A_119 = tpu.memref_squeeze %dma_wait3A_118 : memref<1x128xi32, #tpu.memory_space<vmem>> -> memref<128xi32, #tpu.memory_space<vmem>>
    %dma_wait3A_120 = tpu.memref_slice %arg3[%add3A_36] : memref<16384xi32, #tpu.memory_space<hbm>> -> memref<128xi32, #tpu.memory_space<hbm>>
    %dma_wait3A_121 = arith.constant 0 : i32
    %dma_wait3A_122 = tpu.memref_slice %arg15[%dma_wait3A_116, %dma_wait3A_121] : memref<4x128xi32, #tpu.memory_space<vmem>> -> memref<1x128xi32, #tpu.memory_space<vmem>>
    %dma_wait3A_123 = tpu.memref_squeeze %dma_wait3A_122 : memref<1x128xi32, #tpu.memory_space<vmem>> -> memref<128xi32, #tpu.memory_space<vmem>>
    %dma_wait3A_124 = tpu.memref_slice %arg3[%add3A_36] : memref<16384xi32, #tpu.memory_space<hbm>> -> memref<128xi32, #tpu.memory_space<hbm>>
    tpu.wait_dma2 semaphore(%arg26 : memref<!tpu.dma_semaphore, #tpu.memory_space<semaphore_mem>>) src(%dma_wait3A_124 : memref<128xi32, #tpu.memory_space<hbm>>) dst(%dma_wait3A_123 : memref<128xi32, #tpu.memory_space<vmem>>)
    %dma_wait3A_125 = arith.constant 2 : i32
    %dma_wait3A_126 = arith.constant 0 : i32
    %dma_wait3A_127 = tpu.memref_slice %arg14[%dma_wait3A_125, %dma_wait3A_126] : memref<4x128xi32, #tpu.memory_space<vmem>> -> memref<1x128xi32, #tpu.memory_space<vmem>>
    %dma_wait3A_128 = tpu.memref_squeeze %dma_wait3A_127 : memref<1x128xi32, #tpu.memory_space<vmem>> -> memref<128xi32, #tpu.memory_space<vmem>>
    %dma_wait3A_129 = tpu.memref_slice %arg2[%add3A_47] : memref<16384xi32, #tpu.memory_space<hbm>> -> memref<128xi32, #tpu.memory_space<hbm>>
    %dma_wait3A_130 = arith.constant 0 : i32
    %dma_wait3A_131 = tpu.memref_slice %arg14[%dma_wait3A_125, %dma_wait3A_130] : memref<4x128xi32, #tpu.memory_space<vmem>> -> memref<1x128xi32, #tpu.memory_space<vmem>>
    %dma_wait3A_132 = tpu.memref_squeeze %dma_wait3A_131 : memref<1x128xi32, #tpu.memory_space<vmem>> -> memref<128xi32, #tpu.memory_space<vmem>>
    %dma_wait3A_133 = tpu.memref_slice %arg2[%add3A_47] : memref<16384xi32, #tpu.memory_space<hbm>> -> memref<128xi32, #tpu.memory_space<hbm>>
    tpu.wait_dma2 semaphore(%arg26 : memref<!tpu.dma_semaphore, #tpu.memory_space<semaphore_mem>>) src(%dma_wait3A_133 : memref<128xi32, #tpu.memory_space<hbm>>) dst(%dma_wait3A_132 : memref<128xi32, #tpu.memory_space<vmem>>)
    %dma_wait3A_134 = arith.constant 2 : i32
    %dma_wait3A_135 = arith.constant 0 : i32
    %dma_wait3A_136 = tpu.memref_slice %arg15[%dma_wait3A_134, %dma_wait3A_135] : memref<4x128xi32, #tpu.memory_space<vmem>> -> memref<1x128xi32, #tpu.memory_space<vmem>>
    %dma_wait3A_137 = tpu.memref_squeeze %dma_wait3A_136 : memref<1x128xi32, #tpu.memory_space<vmem>> -> memref<128xi32, #tpu.memory_space<vmem>>
    %dma_wait3A_138 = tpu.memref_slice %arg3[%add3A_58] : memref<16384xi32, #tpu.memory_space<hbm>> -> memref<128xi32, #tpu.memory_space<hbm>>
    %dma_wait3A_139 = arith.constant 0 : i32
    %dma_wait3A_140 = tpu.memref_slice %arg15[%dma_wait3A_134, %dma_wait3A_139] : memref<4x128xi32, #tpu.memory_space<vmem>> -> memref<1x128xi32, #tpu.memory_space<vmem>>
    %dma_wait3A_141 = tpu.memref_squeeze %dma_wait3A_140 : memref<1x128xi32, #tpu.memory_space<vmem>> -> memref<128xi32, #tpu.memory_space<vmem>>
    %dma_wait3A_142 = tpu.memref_slice %arg3[%add3A_58] : memref<16384xi32, #tpu.memory_space<hbm>> -> memref<128xi32, #tpu.memory_space<hbm>>
    tpu.wait_dma2 semaphore(%arg26 : memref<!tpu.dma_semaphore, #tpu.memory_space<semaphore_mem>>) src(%dma_wait3A_142 : memref<128xi32, #tpu.memory_space<hbm>>) dst(%dma_wait3A_141 : memref<128xi32, #tpu.memory_space<vmem>>)
    %dma_wait3A_143 = arith.constant 3 : i32
    %dma_wait3A_144 = arith.constant 0 : i32
    %dma_wait3A_145 = tpu.memref_slice %arg14[%dma_wait3A_143, %dma_wait3A_144] : memref<4x128xi32, #tpu.memory_space<vmem>> -> memref<1x128xi32, #tpu.memory_space<vmem>>
    %dma_wait3A_146 = tpu.memref_squeeze %dma_wait3A_145 : memref<1x128xi32, #tpu.memory_space<vmem>> -> memref<128xi32, #tpu.memory_space<vmem>>
    %dma_wait3A_147 = tpu.memref_slice %arg2[%add3A_69] : memref<16384xi32, #tpu.memory_space<hbm>> -> memref<128xi32, #tpu.memory_space<hbm>>
    %dma_wait3A_148 = arith.constant 0 : i32
    %dma_wait3A_149 = tpu.memref_slice %arg14[%dma_wait3A_143, %dma_wait3A_148] : memref<4x128xi32, #tpu.memory_space<vmem>> -> memref<1x128xi32, #tpu.memory_space<vmem>>
    %dma_wait3A_150 = tpu.memref_squeeze %dma_wait3A_149 : memref<1x128xi32, #tpu.memory_space<vmem>> -> memref<128xi32, #tpu.memory_space<vmem>>
    %dma_wait3A_151 = tpu.memref_slice %arg2[%add3A_69] : memref<16384xi32, #tpu.memory_space<hbm>> -> memref<128xi32, #tpu.memory_space<hbm>>
    tpu.wait_dma2 semaphore(%arg26 : memref<!tpu.dma_semaphore, #tpu.memory_space<semaphore_mem>>) src(%dma_wait3A_151 : memref<128xi32, #tpu.memory_space<hbm>>) dst(%dma_wait3A_150 : memref<128xi32, #tpu.memory_space<vmem>>)
    %dma_wait3A_152 = arith.constant 3 : i32
    %dma_wait3A_153 = arith.constant 0 : i32
    %dma_wait3A_154 = tpu.memref_slice %arg15[%dma_wait3A_152, %dma_wait3A_153] : memref<4x128xi32, #tpu.memory_space<vmem>> -> memref<1x128xi32, #tpu.memory_space<vmem>>
    %dma_wait3A_155 = tpu.memref_squeeze %dma_wait3A_154 : memref<1x128xi32, #tpu.memory_space<vmem>> -> memref<128xi32, #tpu.memory_space<vmem>>
    %dma_wait3A_156 = tpu.memref_slice %arg3[%add3A_80] : memref<16384xi32, #tpu.memory_space<hbm>> -> memref<128xi32, #tpu.memory_space<hbm>>
    %dma_wait3A_157 = arith.constant 0 : i32
    %dma_wait3A_158 = tpu.memref_slice %arg15[%dma_wait3A_152, %dma_wait3A_157] : memref<4x128xi32, #tpu.memory_space<vmem>> -> memref<1x128xi32, #tpu.memory_space<vmem>>
    %dma_wait3A_159 = tpu.memref_squeeze %dma_wait3A_158 : memref<1x128xi32, #tpu.memory_space<vmem>> -> memref<128xi32, #tpu.memory_space<vmem>>
    %dma_wait3A_160 = tpu.memref_slice %arg3[%add3A_80] : memref<16384xi32, #tpu.memory_space<hbm>> -> memref<128xi32, #tpu.memory_space<hbm>>
    tpu.wait_dma2 semaphore(%arg26 : memref<!tpu.dma_semaphore, #tpu.memory_space<semaphore_mem>>) src(%dma_wait3A_160 : memref<128xi32, #tpu.memory_space<hbm>>) dst(%dma_wait3A_159 : memref<128xi32, #tpu.memory_space<vmem>>)
    %dma_start3A_161 = arith.constant 0 : i32
    %dma_start3A_162 = arith.constant 0 : i32
    %dma_start3A_163 = arith.constant 0 : i32
    %dma_start3A_164 = tpu.memref_slice %arg16[%dma_start3A_162, %dma_start3A_163] : memref<512x16xf32, #tpu.memory_space<vmem>> -> memref<128x16xf32, #tpu.memory_space<vmem>>
    %dma_start3A_165 = arith.constant 0 : i32
    %dma_start3A_166 = tpu.memref_slice %arg14[%dma_start3A_161, %dma_start3A_165] : memref<4x128xi32, #tpu.memory_space<vmem>> -> memref<1x128xi32, #tpu.memory_space<vmem>>
    %dma_start3A_167 = tpu.memref_squeeze %dma_start3A_166 : memref<1x128xi32, #tpu.memory_space<vmem>> -> memref<128xi32, #tpu.memory_space<vmem>>
    %dma_start3A_168 = arith.constant 0 : i32
    %dma_start3A_169 = arith.constant 0 : i32
    %dma_start3A_170 = tpu.memref_slice %arg4[%dma_start3A_168, %dma_start3A_169] : memref<1000000x16xf32, #tpu.memory_space<hbm>> -> memref<1000000x16xf32, #tpu.memory_space<hbm>>
    tpu.enqueue_indirect_dma source(%dma_start3A_170 : memref<1000000x16xf32, #tpu.memory_space<hbm>>) target(%dma_start3A_164 : memref<128x16xf32, #tpu.memory_space<vmem>>) offsets(%dma_start3A_167 : memref<128xi32, #tpu.memory_space<vmem>>) semaphore(%arg26 : memref<!tpu.dma_semaphore, #tpu.memory_space<semaphore_mem>>)
    %dma_start3A_171 = arith.constant 0 : i32
    %dma_start3A_172 = arith.constant 0 : i32
    %dma_start3A_173 = arith.constant 0 : i32
    %dma_start3A_174 = tpu.memref_slice %arg17[%dma_start3A_172, %dma_start3A_173] : memref<512x16xf32, #tpu.memory_space<vmem>> -> memref<128x16xf32, #tpu.memory_space<vmem>>
    %dma_start3A_175 = arith.constant 0 : i32
    %dma_start3A_176 = tpu.memref_slice %arg15[%dma_start3A_171, %dma_start3A_175] : memref<4x128xi32, #tpu.memory_space<vmem>> -> memref<1x128xi32, #tpu.memory_space<vmem>>
    %dma_start3A_177 = tpu.memref_squeeze %dma_start3A_176 : memref<1x128xi32, #tpu.memory_space<vmem>> -> memref<128xi32, #tpu.memory_space<vmem>>
    %dma_start3A_178 = arith.constant 0 : i32
    %dma_start3A_179 = arith.constant 0 : i32
    %dma_start3A_180 = tpu.memref_slice %arg5[%dma_start3A_178, %dma_start3A_179] : memref<1000000x16xf32, #tpu.memory_space<hbm>> -> memref<1000000x16xf32, #tpu.memory_space<hbm>>
    tpu.enqueue_indirect_dma source(%dma_start3A_180 : memref<1000000x16xf32, #tpu.memory_space<hbm>>) target(%dma_start3A_174 : memref<128x16xf32, #tpu.memory_space<vmem>>) offsets(%dma_start3A_177 : memref<128xi32, #tpu.memory_space<vmem>>) semaphore(%arg26 : memref<!tpu.dma_semaphore, #tpu.memory_space<semaphore_mem>>)
    %dma_start3A_181 = arith.constant 0 : i32
    %dma_start3A_182 = arith.constant 0 : i32
    %dma_start3A_183 = arith.constant 0 : i32
    %dma_start3A_184 = tpu.memref_slice %arg18[%dma_start3A_182, %dma_start3A_183] : memref<512x16xf32, #tpu.memory_space<vmem>> -> memref<128x16xf32, #tpu.memory_space<vmem>>
    %dma_start3A_185 = arith.constant 0 : i32
    %dma_start3A_186 = tpu.memref_slice %arg14[%dma_start3A_181, %dma_start3A_185] : memref<4x128xi32, #tpu.memory_space<vmem>> -> memref<1x128xi32, #tpu.memory_space<vmem>>
    %dma_start3A_187 = tpu.memref_squeeze %dma_start3A_186 : memref<1x128xi32, #tpu.memory_space<vmem>> -> memref<128xi32, #tpu.memory_space<vmem>>
    %dma_start3A_188 = arith.constant 0 : i32
    %dma_start3A_189 = arith.constant 0 : i32
    %dma_start3A_190 = tpu.memref_slice %arg6[%dma_start3A_188, %dma_start3A_189] : memref<1000000x16xf32, #tpu.memory_space<hbm>> -> memref<1000000x16xf32, #tpu.memory_space<hbm>>
    tpu.enqueue_indirect_dma source(%dma_start3A_190 : memref<1000000x16xf32, #tpu.memory_space<hbm>>) target(%dma_start3A_184 : memref<128x16xf32, #tpu.memory_space<vmem>>) offsets(%dma_start3A_187 : memref<128xi32, #tpu.memory_space<vmem>>) semaphore(%arg26 : memref<!tpu.dma_semaphore, #tpu.memory_space<semaphore_mem>>)
    %dma_start3A_191 = arith.constant 0 : i32
    %dma_start3A_192 = arith.constant 0 : i32
    %dma_start3A_193 = arith.constant 0 : i32
    %dma_start3A_194 = tpu.memref_slice %arg19[%dma_start3A_192, %dma_start3A_193] : memref<512x16xf32, #tpu.memory_space<vmem>> -> memref<128x16xf32, #tpu.memory_space<vmem>>
    %dma_start3A_195 = arith.constant 0 : i32
    %dma_start3A_196 = tpu.memref_slice %arg15[%dma_start3A_191, %dma_start3A_195] : memref<4x128xi32, #tpu.memory_space<vmem>> -> memref<1x128xi32, #tpu.memory_space<vmem>>
    %dma_start3A_197 = tpu.memref_squeeze %dma_start3A_196 : memref<1x128xi32, #tpu.memory_space<vmem>> -> memref<128xi32, #tpu.memory_space<vmem>>
    %dma_start3A_198 = arith.constant 0 : i32
    %dma_start3A_199 = arith.constant 0 : i32
    %dma_start3A_200 = tpu.memref_slice %arg7[%dma_start3A_198, %dma_start3A_199] : memref<1000000x16xf32, #tpu.memory_space<hbm>> -> memref<1000000x16xf32, #tpu.memory_space<hbm>>
    tpu.enqueue_indirect_dma source(%dma_start3A_200 : memref<1000000x16xf32, #tpu.memory_space<hbm>>) target(%dma_start3A_194 : memref<128x16xf32, #tpu.memory_space<vmem>>) offsets(%dma_start3A_197 : memref<128xi32, #tpu.memory_space<vmem>>) semaphore(%arg26 : memref<!tpu.dma_semaphore, #tpu.memory_space<semaphore_mem>>)
    %dma_start3A_201 = arith.constant 0 : i32
    %dma_start3A_202 = arith.constant 0 : i32
    %dma_start3A_203 = tpu.memref_slice %arg20[%dma_start3A_202] : memref<512xf32, #tpu.memory_space<vmem>> -> memref<128xf32, #tpu.memory_space<vmem>>
    %dma_start3A_204 = arith.constant 0 : i32
    %dma_start3A_205 = tpu.memref_slice %arg14[%dma_start3A_201, %dma_start3A_204] : memref<4x128xi32, #tpu.memory_space<vmem>> -> memref<1x128xi32, #tpu.memory_space<vmem>>
    %dma_start3A_206 = tpu.memref_squeeze %dma_start3A_205 : memref<1x128xi32, #tpu.memory_space<vmem>> -> memref<128xi32, #tpu.memory_space<vmem>>
    %dma_start3A_207 = arith.constant 0 : i32
    %dma_start3A_208 = tpu.memref_slice %arg8[%dma_start3A_207] : memref<1000000xf32, #tpu.memory_space<hbm>> -> memref<1000000xf32, #tpu.memory_space<hbm>>
    tpu.enqueue_indirect_dma source(%dma_start3A_208 : memref<1000000xf32, #tpu.memory_space<hbm>>) target(%dma_start3A_203 : memref<128xf32, #tpu.memory_space<vmem>>) offsets(%dma_start3A_206 : memref<128xi32, #tpu.memory_space<vmem>>) semaphore(%arg26 : memref<!tpu.dma_semaphore, #tpu.memory_space<semaphore_mem>>)
    %dma_start3A_209 = arith.constant 0 : i32
    %dma_start3A_210 = arith.constant 0 : i32
    %dma_start3A_211 = tpu.memref_slice %arg21[%dma_start3A_210] : memref<512xf32, #tpu.memory_space<vmem>> -> memref<128xf32, #tpu.memory_space<vmem>>
    %dma_start3A_212 = arith.constant 0 : i32
    %dma_start3A_213 = tpu.memref_slice %arg15[%dma_start3A_209, %dma_start3A_212] : memref<4x128xi32, #tpu.memory_space<vmem>> -> memref<1x128xi32, #tpu.memory_space<vmem>>
    %dma_start3A_214 = tpu.memref_squeeze %dma_start3A_213 : memref<1x128xi32, #tpu.memory_space<vmem>> -> memref<128xi32, #tpu.memory_space<vmem>>
    %dma_start3A_215 = arith.constant 0 : i32
    %dma_start3A_216 = tpu.memref_slice %arg9[%dma_start3A_215] : memref<1000000xf32, #tpu.memory_space<hbm>> -> memref<1000000xf32, #tpu.memory_space<hbm>>
    tpu.enqueue_indirect_dma source(%dma_start3A_216 : memref<1000000xf32, #tpu.memory_space<hbm>>) target(%dma_start3A_211 : memref<128xf32, #tpu.memory_space<vmem>>) offsets(%dma_start3A_214 : memref<128xi32, #tpu.memory_space<vmem>>) semaphore(%arg26 : memref<!tpu.dma_semaphore, #tpu.memory_space<semaphore_mem>>)
    %dma_start3A_217 = arith.constant 0 : i32
    %dma_start3A_218 = arith.constant 0 : i32
    %dma_start3A_219 = tpu.memref_slice %arg22[%dma_start3A_218] : memref<512xf32, #tpu.memory_space<vmem>> -> memref<128xf32, #tpu.memory_space<vmem>>
    %dma_start3A_220 = arith.constant 0 : i32
    %dma_start3A_221 = tpu.memref_slice %arg14[%dma_start3A_217, %dma_start3A_220] : memref<4x128xi32, #tpu.memory_space<vmem>> -> memref<1x128xi32, #tpu.memory_space<vmem>>
    %dma_start3A_222 = tpu.memref_squeeze %dma_start3A_221 : memref<1x128xi32, #tpu.memory_space<vmem>> -> memref<128xi32, #tpu.memory_space<vmem>>
    %dma_start3A_223 = arith.constant 0 : i32
    %dma_start3A_224 = tpu.memref_slice %arg10[%dma_start3A_223] : memref<1000000xf32, #tpu.memory_space<hbm>> -> memref<1000000xf32, #tpu.memory_space<hbm>>
    tpu.enqueue_indirect_dma source(%dma_start3A_224 : memref<1000000xf32, #tpu.memory_space<hbm>>) target(%dma_start3A_219 : memref<128xf32, #tpu.memory_space<vmem>>) offsets(%dma_start3A_222 : memref<128xi32, #tpu.memory_space<vmem>>) semaphore(%arg26 : memref<!tpu.dma_semaphore, #tpu.memory_space<semaphore_mem>>)
    %dma_start3A_225 = arith.constant 0 : i32
    %dma_start3A_226 = arith.constant 0 : i32
    %dma_start3A_227 = tpu.memref_slice %arg23[%dma_start3A_226] : memref<512xf32, #tpu.memory_space<vmem>> -> memref<128xf32, #tpu.memory_space<vmem>>
    %dma_start3A_228 = arith.constant 0 : i32
    %dma_start3A_229 = tpu.memref_slice %arg15[%dma_start3A_225, %dma_start3A_228] : memref<4x128xi32, #tpu.memory_space<vmem>> -> memref<1x128xi32, #tpu.memory_space<vmem>>
    %dma_start3A_230 = tpu.memref_squeeze %dma_start3A_229 : memref<1x128xi32, #tpu.memory_space<vmem>> -> memref<128xi32, #tpu.memory_space<vmem>>
    %dma_start3A_231 = arith.constant 0 : i32
    %dma_start3A_232 = tpu.memref_slice %arg11[%dma_start3A_231] : memref<1000000xf32, #tpu.memory_space<hbm>> -> memref<1000000xf32, #tpu.memory_space<hbm>>
    tpu.enqueue_indirect_dma source(%dma_start3A_232 : memref<1000000xf32, #tpu.memory_space<hbm>>) target(%dma_start3A_227 : memref<128xf32, #tpu.memory_space<vmem>>) offsets(%dma_start3A_230 : memref<128xi32, #tpu.memory_space<vmem>>) semaphore(%arg26 : memref<!tpu.dma_semaphore, #tpu.memory_space<semaphore_mem>>)
    %dma_start3A_233 = arith.constant 1 : i32
    %dma_start3A_234 = arith.constant 128 : i32
    %dma_start3A_235 = arith.constant 0 : i32
    %dma_start3A_236 = tpu.memref_slice %arg16[%dma_start3A_234, %dma_start3A_235] : memref<512x16xf32, #tpu.memory_space<vmem>> -> memref<128x16xf32, #tpu.memory_space<vmem>>
    %dma_start3A_237 = arith.constant 0 : i32
    %dma_start3A_238 = tpu.memref_slice %arg14[%dma_start3A_233, %dma_start3A_237] : memref<4x128xi32, #tpu.memory_space<vmem>> -> memref<1x128xi32, #tpu.memory_space<vmem>>
    %dma_start3A_239 = tpu.memref_squeeze %dma_start3A_238 : memref<1x128xi32, #tpu.memory_space<vmem>> -> memref<128xi32, #tpu.memory_space<vmem>>
    %dma_start3A_240 = arith.constant 0 : i32
    %dma_start3A_241 = arith.constant 0 : i32
    %dma_start3A_242 = tpu.memref_slice %arg4[%dma_start3A_240, %dma_start3A_241] : memref<1000000x16xf32, #tpu.memory_space<hbm>> -> memref<1000000x16xf32, #tpu.memory_space<hbm>>
    tpu.enqueue_indirect_dma source(%dma_start3A_242 : memref<1000000x16xf32, #tpu.memory_space<hbm>>) target(%dma_start3A_236 : memref<128x16xf32, #tpu.memory_space<vmem>>) offsets(%dma_start3A_239 : memref<128xi32, #tpu.memory_space<vmem>>) semaphore(%arg26 : memref<!tpu.dma_semaphore, #tpu.memory_space<semaphore_mem>>)
    %dma_start3A_243 = arith.constant 1 : i32
    %dma_start3A_244 = arith.constant 128 : i32
    %dma_start3A_245 = arith.constant 0 : i32
    %dma_start3A_246 = tpu.memref_slice %arg17[%dma_start3A_244, %dma_start3A_245] : memref<512x16xf32, #tpu.memory_space<vmem>> -> memref<128x16xf32, #tpu.memory_space<vmem>>
    %dma_start3A_247 = arith.constant 0 : i32
    %dma_start3A_248 = tpu.memref_slice %arg15[%dma_start3A_243, %dma_start3A_247] : memref<4x128xi32, #tpu.memory_space<vmem>> -> memref<1x128xi32, #tpu.memory_space<vmem>>
    %dma_start3A_249 = tpu.memref_squeeze %dma_start3A_248 : memref<1x128xi32, #tpu.memory_space<vmem>> -> memref<128xi32, #tpu.memory_space<vmem>>
    %dma_start3A_250 = arith.constant 0 : i32
    %dma_start3A_251 = arith.constant 0 : i32
    %dma_start3A_252 = tpu.memref_slice %arg5[%dma_start3A_250, %dma_start3A_251] : memref<1000000x16xf32, #tpu.memory_space<hbm>> -> memref<1000000x16xf32, #tpu.memory_space<hbm>>
    tpu.enqueue_indirect_dma source(%dma_start3A_252 : memref<1000000x16xf32, #tpu.memory_space<hbm>>) target(%dma_start3A_246 : memref<128x16xf32, #tpu.memory_space<vmem>>) offsets(%dma_start3A_249 : memref<128xi32, #tpu.memory_space<vmem>>) semaphore(%arg26 : memref<!tpu.dma_semaphore, #tpu.memory_space<semaphore_mem>>)
    %dma_start3A_253 = arith.constant 1 : i32
    %dma_start3A_254 = arith.constant 128 : i32
    %dma_start3A_255 = arith.constant 0 : i32
    %dma_start3A_256 = tpu.memref_slice %arg18[%dma_start3A_254, %dma_start3A_255] : memref<512x16xf32, #tpu.memory_space<vmem>> -> memref<128x16xf32, #tpu.memory_space<vmem>>
    %dma_start3A_257 = arith.constant 0 : i32
    %dma_start3A_258 = tpu.memref_slice %arg14[%dma_start3A_253, %dma_start3A_257] : memref<4x128xi32, #tpu.memory_space<vmem>> -> memref<1x128xi32, #tpu.memory_space<vmem>>
    %dma_start3A_259 = tpu.memref_squeeze %dma_start3A_258 : memref<1x128xi32, #tpu.memory_space<vmem>> -> memref<128xi32, #tpu.memory_space<vmem>>
    %dma_start3A_260 = arith.constant 0 : i32
    %dma_start3A_261 = arith.constant 0 : i32
    %dma_start3A_262 = tpu.memref_slice %arg6[%dma_start3A_260, %dma_start3A_261] : memref<1000000x16xf32, #tpu.memory_space<hbm>> -> memref<1000000x16xf32, #tpu.memory_space<hbm>>
    tpu.enqueue_indirect_dma source(%dma_start3A_262 : memref<1000000x16xf32, #tpu.memory_space<hbm>>) target(%dma_start3A_256 : memref<128x16xf32, #tpu.memory_space<vmem>>) offsets(%dma_start3A_259 : memref<128xi32, #tpu.memory_space<vmem>>) semaphore(%arg26 : memref<!tpu.dma_semaphore, #tpu.memory_space<semaphore_mem>>)
    %dma_start3A_263 = arith.constant 1 : i32
    %dma_start3A_264 = arith.constant 128 : i32
    %dma_start3A_265 = arith.constant 0 : i32
    %dma_start3A_266 = tpu.memref_slice %arg19[%dma_start3A_264, %dma_start3A_265] : memref<512x16xf32, #tpu.memory_space<vmem>> -> memref<128x16xf32, #tpu.memory_space<vmem>>
    %dma_start3A_267 = arith.constant 0 : i32
    %dma_start3A_268 = tpu.memref_slice %arg15[%dma_start3A_263, %dma_start3A_267] : memref<4x128xi32, #tpu.memory_space<vmem>> -> memref<1x128xi32, #tpu.memory_space<vmem>>
    %dma_start3A_269 = tpu.memref_squeeze %dma_start3A_268 : memref<1x128xi32, #tpu.memory_space<vmem>> -> memref<128xi32, #tpu.memory_space<vmem>>
    %dma_start3A_270 = arith.constant 0 : i32
    %dma_start3A_271 = arith.constant 0 : i32
    %dma_start3A_272 = tpu.memref_slice %arg7[%dma_start3A_270, %dma_start3A_271] : memref<1000000x16xf32, #tpu.memory_space<hbm>> -> memref<1000000x16xf32, #tpu.memory_space<hbm>>
    tpu.enqueue_indirect_dma source(%dma_start3A_272 : memref<1000000x16xf32, #tpu.memory_space<hbm>>) target(%dma_start3A_266 : memref<128x16xf32, #tpu.memory_space<vmem>>) offsets(%dma_start3A_269 : memref<128xi32, #tpu.memory_space<vmem>>) semaphore(%arg26 : memref<!tpu.dma_semaphore, #tpu.memory_space<semaphore_mem>>)
    %dma_start3A_273 = arith.constant 1 : i32
    %dma_start3A_274 = arith.constant 128 : i32
    %dma_start3A_275 = tpu.memref_slice %arg20[%dma_start3A_274] : memref<512xf32, #tpu.memory_space<vmem>> -> memref<128xf32, #tpu.memory_space<vmem>>
    %dma_start3A_276 = arith.constant 0 : i32
    %dma_start3A_277 = tpu.memref_slice %arg14[%dma_start3A_273, %dma_start3A_276] : memref<4x128xi32, #tpu.memory_space<vmem>> -> memref<1x128xi32, #tpu.memory_space<vmem>>
    %dma_start3A_278 = tpu.memref_squeeze %dma_start3A_277 : memref<1x128xi32, #tpu.memory_space<vmem>> -> memref<128xi32, #tpu.memory_space<vmem>>
    %dma_start3A_279 = arith.constant 0 : i32
    %dma_start3A_280 = tpu.memref_slice %arg8[%dma_start3A_279] : memref<1000000xf32, #tpu.memory_space<hbm>> -> memref<1000000xf32, #tpu.memory_space<hbm>>
    tpu.enqueue_indirect_dma source(%dma_start3A_280 : memref<1000000xf32, #tpu.memory_space<hbm>>) target(%dma_start3A_275 : memref<128xf32, #tpu.memory_space<vmem>>) offsets(%dma_start3A_278 : memref<128xi32, #tpu.memory_space<vmem>>) semaphore(%arg26 : memref<!tpu.dma_semaphore, #tpu.memory_space<semaphore_mem>>)
    %dma_start3A_281 = arith.constant 1 : i32
    %dma_start3A_282 = arith.constant 128 : i32
    %dma_start3A_283 = tpu.memref_slice %arg21[%dma_start3A_282] : memref<512xf32, #tpu.memory_space<vmem>> -> memref<128xf32, #tpu.memory_space<vmem>>
    %dma_start3A_284 = arith.constant 0 : i32
    %dma_start3A_285 = tpu.memref_slice %arg15[%dma_start3A_281, %dma_start3A_284] : memref<4x128xi32, #tpu.memory_space<vmem>> -> memref<1x128xi32, #tpu.memory_space<vmem>>
    %dma_start3A_286 = tpu.memref_squeeze %dma_start3A_285 : memref<1x128xi32, #tpu.memory_space<vmem>> -> memref<128xi32, #tpu.memory_space<vmem>>
    %dma_start3A_287 = arith.constant 0 : i32
    %dma_start3A_288 = tpu.memref_slice %arg9[%dma_start3A_287] : memref<1000000xf32, #tpu.memory_space<hbm>> -> memref<1000000xf32, #tpu.memory_space<hbm>>
    tpu.enqueue_indirect_dma source(%dma_start3A_288 : memref<1000000xf32, #tpu.memory_space<hbm>>) target(%dma_start3A_283 : memref<128xf32, #tpu.memory_space<vmem>>) offsets(%dma_start3A_286 : memref<128xi32, #tpu.memory_space<vmem>>) semaphore(%arg26 : memref<!tpu.dma_semaphore, #tpu.memory_space<semaphore_mem>>)
    %dma_start3A_289 = arith.constant 1 : i32
    %dma_start3A_290 = arith.constant 128 : i32
    %dma_start3A_291 = tpu.memref_slice %arg22[%dma_start3A_290] : memref<512xf32, #tpu.memory_space<vmem>> -> memref<128xf32, #tpu.memory_space<vmem>>
    %dma_start3A_292 = arith.constant 0 : i32
    %dma_start3A_293 = tpu.memref_slice %arg14[%dma_start3A_289, %dma_start3A_292] : memref<4x128xi32, #tpu.memory_space<vmem>> -> memref<1x128xi32, #tpu.memory_space<vmem>>
    %dma_start3A_294 = tpu.memref_squeeze %dma_start3A_293 : memref<1x128xi32, #tpu.memory_space<vmem>> -> memref<128xi32, #tpu.memory_space<vmem>>
    %dma_start3A_295 = arith.constant 0 : i32
    %dma_start3A_296 = tpu.memref_slice %arg10[%dma_start3A_295] : memref<1000000xf32, #tpu.memory_space<hbm>> -> memref<1000000xf32, #tpu.memory_space<hbm>>
    tpu.enqueue_indirect_dma source(%dma_start3A_296 : memref<1000000xf32, #tpu.memory_space<hbm>>) target(%dma_start3A_291 : memref<128xf32, #tpu.memory_space<vmem>>) offsets(%dma_start3A_294 : memref<128xi32, #tpu.memory_space<vmem>>) semaphore(%arg26 : memref<!tpu.dma_semaphore, #tpu.memory_space<semaphore_mem>>)
    %dma_start3A_297 = arith.constant 1 : i32
    %dma_start3A_298 = arith.constant 128 : i32
    %dma_start3A_299 = tpu.memref_slice %arg23[%dma_start3A_298] : memref<512xf32, #tpu.memory_space<vmem>> -> memref<128xf32, #tpu.memory_space<vmem>>
    %dma_start3A_300 = arith.constant 0 : i32
    %dma_start3A_301 = tpu.memref_slice %arg15[%dma_start3A_297, %dma_start3A_300] : memref<4x128xi32, #tpu.memory_space<vmem>> -> memref<1x128xi32, #tpu.memory_space<vmem>>
    %dma_start3A_302 = tpu.memref_squeeze %dma_start3A_301 : memref<1x128xi32, #tpu.memory_space<vmem>> -> memref<128xi32, #tpu.memory_space<vmem>>
    %dma_start3A_303 = arith.constant 0 : i32
    %dma_start3A_304 = tpu.memref_slice %arg11[%dma_start3A_303] : memref<1000000xf32, #tpu.memory_space<hbm>> -> memref<1000000xf32, #tpu.memory_space<hbm>>
    tpu.enqueue_indirect_dma source(%dma_start3A_304 : memref<1000000xf32, #tpu.memory_space<hbm>>) target(%dma_start3A_299 : memref<128xf32, #tpu.memory_space<vmem>>) offsets(%dma_start3A_302 : memref<128xi32, #tpu.memory_space<vmem>>) semaphore(%arg26 : memref<!tpu.dma_semaphore, #tpu.memory_space<semaphore_mem>>)
    %dma_start3A_305 = arith.constant 2 : i32
    %dma_start3A_306 = arith.constant 256 : i32
    %dma_start3A_307 = arith.constant 0 : i32
    %dma_start3A_308 = tpu.memref_slice %arg16[%dma_start3A_306, %dma_start3A_307] : memref<512x16xf32, #tpu.memory_space<vmem>> -> memref<128x16xf32, #tpu.memory_space<vmem>>
    %dma_start3A_309 = arith.constant 0 : i32
    %dma_start3A_310 = tpu.memref_slice %arg14[%dma_start3A_305, %dma_start3A_309] : memref<4x128xi32, #tpu.memory_space<vmem>> -> memref<1x128xi32, #tpu.memory_space<vmem>>
    %dma_start3A_311 = tpu.memref_squeeze %dma_start3A_310 : memref<1x128xi32, #tpu.memory_space<vmem>> -> memref<128xi32, #tpu.memory_space<vmem>>
    %dma_start3A_312 = arith.constant 0 : i32
    %dma_start3A_313 = arith.constant 0 : i32
    %dma_start3A_314 = tpu.memref_slice %arg4[%dma_start3A_312, %dma_start3A_313] : memref<1000000x16xf32, #tpu.memory_space<hbm>> -> memref<1000000x16xf32, #tpu.memory_space<hbm>>
    tpu.enqueue_indirect_dma source(%dma_start3A_314 : memref<1000000x16xf32, #tpu.memory_space<hbm>>) target(%dma_start3A_308 : memref<128x16xf32, #tpu.memory_space<vmem>>) offsets(%dma_start3A_311 : memref<128xi32, #tpu.memory_space<vmem>>) semaphore(%arg26 : memref<!tpu.dma_semaphore, #tpu.memory_space<semaphore_mem>>)
    %dma_start3A_315 = arith.constant 2 : i32
    %dma_start3A_316 = arith.constant 256 : i32
    %dma_start3A_317 = arith.constant 0 : i32
    %dma_start3A_318 = tpu.memref_slice %arg17[%dma_start3A_316, %dma_start3A_317] : memref<512x16xf32, #tpu.memory_space<vmem>> -> memref<128x16xf32, #tpu.memory_space<vmem>>
    %dma_start3A_319 = arith.constant 0 : i32
    %dma_start3A_320 = tpu.memref_slice %arg15[%dma_start3A_315, %dma_start3A_319] : memref<4x128xi32, #tpu.memory_space<vmem>> -> memref<1x128xi32, #tpu.memory_space<vmem>>
    %dma_start3A_321 = tpu.memref_squeeze %dma_start3A_320 : memref<1x128xi32, #tpu.memory_space<vmem>> -> memref<128xi32, #tpu.memory_space<vmem>>
    %dma_start3A_322 = arith.constant 0 : i32
    %dma_start3A_323 = arith.constant 0 : i32
    %dma_start3A_324 = tpu.memref_slice %arg5[%dma_start3A_322, %dma_start3A_323] : memref<1000000x16xf32, #tpu.memory_space<hbm>> -> memref<1000000x16xf32, #tpu.memory_space<hbm>>
    tpu.enqueue_indirect_dma source(%dma_start3A_324 : memref<1000000x16xf32, #tpu.memory_space<hbm>>) target(%dma_start3A_318 : memref<128x16xf32, #tpu.memory_space<vmem>>) offsets(%dma_start3A_321 : memref<128xi32, #tpu.memory_space<vmem>>) semaphore(%arg26 : memref<!tpu.dma_semaphore, #tpu.memory_space<semaphore_mem>>)
    %dma_start3A_325 = arith.constant 2 : i32
    %dma_start3A_326 = arith.constant 256 : i32
    %dma_start3A_327 = arith.constant 0 : i32
    %dma_start3A_328 = tpu.memref_slice %arg18[%dma_start3A_326, %dma_start3A_327] : memref<512x16xf32, #tpu.memory_space<vmem>> -> memref<128x16xf32, #tpu.memory_space<vmem>>
    %dma_start3A_329 = arith.constant 0 : i32
    %dma_start3A_330 = tpu.memref_slice %arg14[%dma_start3A_325, %dma_start3A_329] : memref<4x128xi32, #tpu.memory_space<vmem>> -> memref<1x128xi32, #tpu.memory_space<vmem>>
    %dma_start3A_331 = tpu.memref_squeeze %dma_start3A_330 : memref<1x128xi32, #tpu.memory_space<vmem>> -> memref<128xi32, #tpu.memory_space<vmem>>
    %dma_start3A_332 = arith.constant 0 : i32
    %dma_start3A_333 = arith.constant 0 : i32
    %dma_start3A_334 = tpu.memref_slice %arg6[%dma_start3A_332, %dma_start3A_333] : memref<1000000x16xf32, #tpu.memory_space<hbm>> -> memref<1000000x16xf32, #tpu.memory_space<hbm>>
    tpu.enqueue_indirect_dma source(%dma_start3A_334 : memref<1000000x16xf32, #tpu.memory_space<hbm>>) target(%dma_start3A_328 : memref<128x16xf32, #tpu.memory_space<vmem>>) offsets(%dma_start3A_331 : memref<128xi32, #tpu.memory_space<vmem>>) semaphore(%arg26 : memref<!tpu.dma_semaphore, #tpu.memory_space<semaphore_mem>>)
    %dma_start3A_335 = arith.constant 2 : i32
    %dma_start3A_336 = arith.constant 256 : i32
    %dma_start3A_337 = arith.constant 0 : i32
    %dma_start3A_338 = tpu.memref_slice %arg19[%dma_start3A_336, %dma_start3A_337] : memref<512x16xf32, #tpu.memory_space<vmem>> -> memref<128x16xf32, #tpu.memory_space<vmem>>
    %dma_start3A_339 = arith.constant 0 : i32
    %dma_start3A_340 = tpu.memref_slice %arg15[%dma_start3A_335, %dma_start3A_339] : memref<4x128xi32, #tpu.memory_space<vmem>> -> memref<1x128xi32, #tpu.memory_space<vmem>>
    %dma_start3A_341 = tpu.memref_squeeze %dma_start3A_340 : memref<1x128xi32, #tpu.memory_space<vmem>> -> memref<128xi32, #tpu.memory_space<vmem>>
    %dma_start3A_342 = arith.constant 0 : i32
    %dma_start3A_343 = arith.constant 0 : i32
    %dma_start3A_344 = tpu.memref_slice %arg7[%dma_start3A_342, %dma_start3A_343] : memref<1000000x16xf32, #tpu.memory_space<hbm>> -> memref<1000000x16xf32, #tpu.memory_space<hbm>>
    tpu.enqueue_indirect_dma source(%dma_start3A_344 : memref<1000000x16xf32, #tpu.memory_space<hbm>>) target(%dma_start3A_338 : memref<128x16xf32, #tpu.memory_space<vmem>>) offsets(%dma_start3A_341 : memref<128xi32, #tpu.memory_space<vmem>>) semaphore(%arg26 : memref<!tpu.dma_semaphore, #tpu.memory_space<semaphore_mem>>)
    %dma_start3A_345 = arith.constant 2 : i32
    %dma_start3A_346 = arith.constant 256 : i32
    %dma_start3A_347 = tpu.memref_slice %arg20[%dma_start3A_346] : memref<512xf32, #tpu.memory_space<vmem>> -> memref<128xf32, #tpu.memory_space<vmem>>
    %dma_start3A_348 = arith.constant 0 : i32
    %dma_start3A_349 = tpu.memref_slice %arg14[%dma_start3A_345, %dma_start3A_348] : memref<4x128xi32, #tpu.memory_space<vmem>> -> memref<1x128xi32, #tpu.memory_space<vmem>>
    %dma_start3A_350 = tpu.memref_squeeze %dma_start3A_349 : memref<1x128xi32, #tpu.memory_space<vmem>> -> memref<128xi32, #tpu.memory_space<vmem>>
    %dma_start3A_351 = arith.constant 0 : i32
    %dma_start3A_352 = tpu.memref_slice %arg8[%dma_start3A_351] : memref<1000000xf32, #tpu.memory_space<hbm>> -> memref<1000000xf32, #tpu.memory_space<hbm>>
    tpu.enqueue_indirect_dma source(%dma_start3A_352 : memref<1000000xf32, #tpu.memory_space<hbm>>) target(%dma_start3A_347 : memref<128xf32, #tpu.memory_space<vmem>>) offsets(%dma_start3A_350 : memref<128xi32, #tpu.memory_space<vmem>>) semaphore(%arg26 : memref<!tpu.dma_semaphore, #tpu.memory_space<semaphore_mem>>)
    %dma_start3A_353 = arith.constant 2 : i32
    %dma_start3A_354 = arith.constant 256 : i32
    %dma_start3A_355 = tpu.memref_slice %arg21[%dma_start3A_354] : memref<512xf32, #tpu.memory_space<vmem>> -> memref<128xf32, #tpu.memory_space<vmem>>
    %dma_start3A_356 = arith.constant 0 : i32
    %dma_start3A_357 = tpu.memref_slice %arg15[%dma_start3A_353, %dma_start3A_356] : memref<4x128xi32, #tpu.memory_space<vmem>> -> memref<1x128xi32, #tpu.memory_space<vmem>>
    %dma_start3A_358 = tpu.memref_squeeze %dma_start3A_357 : memref<1x128xi32, #tpu.memory_space<vmem>> -> memref<128xi32, #tpu.memory_space<vmem>>
    %dma_start3A_359 = arith.constant 0 : i32
    %dma_start3A_360 = tpu.memref_slice %arg9[%dma_start3A_359] : memref<1000000xf32, #tpu.memory_space<hbm>> -> memref<1000000xf32, #tpu.memory_space<hbm>>
    tpu.enqueue_indirect_dma source(%dma_start3A_360 : memref<1000000xf32, #tpu.memory_space<hbm>>) target(%dma_start3A_355 : memref<128xf32, #tpu.memory_space<vmem>>) offsets(%dma_start3A_358 : memref<128xi32, #tpu.memory_space<vmem>>) semaphore(%arg26 : memref<!tpu.dma_semaphore, #tpu.memory_space<semaphore_mem>>)
    %dma_start3A_361 = arith.constant 2 : i32
    %dma_start3A_362 = arith.constant 256 : i32
    %dma_start3A_363 = tpu.memref_slice %arg22[%dma_start3A_362] : memref<512xf32, #tpu.memory_space<vmem>> -> memref<128xf32, #tpu.memory_space<vmem>>
    %dma_start3A_364 = arith.constant 0 : i32
    %dma_start3A_365 = tpu.memref_slice %arg14[%dma_start3A_361, %dma_start3A_364] : memref<4x128xi32, #tpu.memory_space<vmem>> -> memref<1x128xi32, #tpu.memory_space<vmem>>
    %dma_start3A_366 = tpu.memref_squeeze %dma_start3A_365 : memref<1x128xi32, #tpu.memory_space<vmem>> -> memref<128xi32, #tpu.memory_space<vmem>>
    %dma_start3A_367 = arith.constant 0 : i32
    %dma_start3A_368 = tpu.memref_slice %arg10[%dma_start3A_367] : memref<1000000xf32, #tpu.memory_space<hbm>> -> memref<1000000xf32, #tpu.memory_space<hbm>>
    tpu.enqueue_indirect_dma source(%dma_start3A_368 : memref<1000000xf32, #tpu.memory_space<hbm>>) target(%dma_start3A_363 : memref<128xf32, #tpu.memory_space<vmem>>) offsets(%dma_start3A_366 : memref<128xi32, #tpu.memory_space<vmem>>) semaphore(%arg26 : memref<!tpu.dma_semaphore, #tpu.memory_space<semaphore_mem>>)
    %dma_start3A_369 = arith.constant 2 : i32
    %dma_start3A_370 = arith.constant 256 : i32
    %dma_start3A_371 = tpu.memref_slice %arg23[%dma_start3A_370] : memref<512xf32, #tpu.memory_space<vmem>> -> memref<128xf32, #tpu.memory_space<vmem>>
    %dma_start3A_372 = arith.constant 0 : i32
    %dma_start3A_373 = tpu.memref_slice %arg15[%dma_start3A_369, %dma_start3A_372] : memref<4x128xi32, #tpu.memory_space<vmem>> -> memref<1x128xi32, #tpu.memory_space<vmem>>
    %dma_start3A_374 = tpu.memref_squeeze %dma_start3A_373 : memref<1x128xi32, #tpu.memory_space<vmem>> -> memref<128xi32, #tpu.memory_space<vmem>>
    %dma_start3A_375 = arith.constant 0 : i32
    %dma_start3A_376 = tpu.memref_slice %arg11[%dma_start3A_375] : memref<1000000xf32, #tpu.memory_space<hbm>> -> memref<1000000xf32, #tpu.memory_space<hbm>>
    tpu.enqueue_indirect_dma source(%dma_start3A_376 : memref<1000000xf32, #tpu.memory_space<hbm>>) target(%dma_start3A_371 : memref<128xf32, #tpu.memory_space<vmem>>) offsets(%dma_start3A_374 : memref<128xi32, #tpu.memory_space<vmem>>) semaphore(%arg26 : memref<!tpu.dma_semaphore, #tpu.memory_space<semaphore_mem>>)
    %dma_start3A_377 = arith.constant 3 : i32
    %dma_start3A_378 = arith.constant 384 : i32
    %dma_start3A_379 = arith.constant 0 : i32
    %dma_start3A_380 = tpu.memref_slice %arg16[%dma_start3A_378, %dma_start3A_379] : memref<512x16xf32, #tpu.memory_space<vmem>> -> memref<128x16xf32, #tpu.memory_space<vmem>>
    %dma_start3A_381 = arith.constant 0 : i32
    %dma_start3A_382 = tpu.memref_slice %arg14[%dma_start3A_377, %dma_start3A_381] : memref<4x128xi32, #tpu.memory_space<vmem>> -> memref<1x128xi32, #tpu.memory_space<vmem>>
    %dma_start3A_383 = tpu.memref_squeeze %dma_start3A_382 : memref<1x128xi32, #tpu.memory_space<vmem>> -> memref<128xi32, #tpu.memory_space<vmem>>
    %dma_start3A_384 = arith.constant 0 : i32
    %dma_start3A_385 = arith.constant 0 : i32
    %dma_start3A_386 = tpu.memref_slice %arg4[%dma_start3A_384, %dma_start3A_385] : memref<1000000x16xf32, #tpu.memory_space<hbm>> -> memref<1000000x16xf32, #tpu.memory_space<hbm>>
    tpu.enqueue_indirect_dma source(%dma_start3A_386 : memref<1000000x16xf32, #tpu.memory_space<hbm>>) target(%dma_start3A_380 : memref<128x16xf32, #tpu.memory_space<vmem>>) offsets(%dma_start3A_383 : memref<128xi32, #tpu.memory_space<vmem>>) semaphore(%arg26 : memref<!tpu.dma_semaphore, #tpu.memory_space<semaphore_mem>>)
    %dma_start3A_387 = arith.constant 3 : i32
    %dma_start3A_388 = arith.constant 384 : i32
    %dma_start3A_389 = arith.constant 0 : i32
    %dma_start3A_390 = tpu.memref_slice %arg17[%dma_start3A_388, %dma_start3A_389] : memref<512x16xf32, #tpu.memory_space<vmem>> -> memref<128x16xf32, #tpu.memory_space<vmem>>
    %dma_start3A_391 = arith.constant 0 : i32
    %dma_start3A_392 = tpu.memref_slice %arg15[%dma_start3A_387, %dma_start3A_391] : memref<4x128xi32, #tpu.memory_space<vmem>> -> memref<1x128xi32, #tpu.memory_space<vmem>>
    %dma_start3A_393 = tpu.memref_squeeze %dma_start3A_392 : memref<1x128xi32, #tpu.memory_space<vmem>> -> memref<128xi32, #tpu.memory_space<vmem>>
    %dma_start3A_394 = arith.constant 0 : i32
    %dma_start3A_395 = arith.constant 0 : i32
    %dma_start3A_396 = tpu.memref_slice %arg5[%dma_start3A_394, %dma_start3A_395] : memref<1000000x16xf32, #tpu.memory_space<hbm>> -> memref<1000000x16xf32, #tpu.memory_space<hbm>>
    tpu.enqueue_indirect_dma source(%dma_start3A_396 : memref<1000000x16xf32, #tpu.memory_space<hbm>>) target(%dma_start3A_390 : memref<128x16xf32, #tpu.memory_space<vmem>>) offsets(%dma_start3A_393 : memref<128xi32, #tpu.memory_space<vmem>>) semaphore(%arg26 : memref<!tpu.dma_semaphore, #tpu.memory_space<semaphore_mem>>)
    %dma_start3A_397 = arith.constant 3 : i32
    %dma_start3A_398 = arith.constant 384 : i32
    %dma_start3A_399 = arith.constant 0 : i32
    %dma_start3A_400 = tpu.memref_slice %arg18[%dma_start3A_398, %dma_start3A_399] : memref<512x16xf32, #tpu.memory_space<vmem>> -> memref<128x16xf32, #tpu.memory_space<vmem>>
    %dma_start3A_401 = arith.constant 0 : i32
    %dma_start3A_402 = tpu.memref_slice %arg14[%dma_start3A_397, %dma_start3A_401] : memref<4x128xi32, #tpu.memory_space<vmem>> -> memref<1x128xi32, #tpu.memory_space<vmem>>
    %dma_start3A_403 = tpu.memref_squeeze %dma_start3A_402 : memref<1x128xi32, #tpu.memory_space<vmem>> -> memref<128xi32, #tpu.memory_space<vmem>>
    %dma_start3A_404 = arith.constant 0 : i32
    %dma_start3A_405 = arith.constant 0 : i32
    %dma_start3A_406 = tpu.memref_slice %arg6[%dma_start3A_404, %dma_start3A_405] : memref<1000000x16xf32, #tpu.memory_space<hbm>> -> memref<1000000x16xf32, #tpu.memory_space<hbm>>
    tpu.enqueue_indirect_dma source(%dma_start3A_406 : memref<1000000x16xf32, #tpu.memory_space<hbm>>) target(%dma_start3A_400 : memref<128x16xf32, #tpu.memory_space<vmem>>) offsets(%dma_start3A_403 : memref<128xi32, #tpu.memory_space<vmem>>) semaphore(%arg26 : memref<!tpu.dma_semaphore, #tpu.memory_space<semaphore_mem>>)
    %dma_start3A_407 = arith.constant 3 : i32
    %dma_start3A_408 = arith.constant 384 : i32
    %dma_start3A_409 = arith.constant 0 : i32
    %dma_start3A_410 = tpu.memref_slice %arg19[%dma_start3A_408, %dma_start3A_409] : memref<512x16xf32, #tpu.memory_space<vmem>> -> memref<128x16xf32, #tpu.memory_space<vmem>>
    %dma_start3A_411 = arith.constant 0 : i32
    %dma_start3A_412 = tpu.memref_slice %arg15[%dma_start3A_407, %dma_start3A_411] : memref<4x128xi32, #tpu.memory_space<vmem>> -> memref<1x128xi32, #tpu.memory_space<vmem>>
    %dma_start3A_413 = tpu.memref_squeeze %dma_start3A_412 : memref<1x128xi32, #tpu.memory_space<vmem>> -> memref<128xi32, #tpu.memory_space<vmem>>
    %dma_start3A_414 = arith.constant 0 : i32
    %dma_start3A_415 = arith.constant 0 : i32
    %dma_start3A_416 = tpu.memref_slice %arg7[%dma_start3A_414, %dma_start3A_415] : memref<1000000x16xf32, #tpu.memory_space<hbm>> -> memref<1000000x16xf32, #tpu.memory_space<hbm>>
    tpu.enqueue_indirect_dma source(%dma_start3A_416 : memref<1000000x16xf32, #tpu.memory_space<hbm>>) target(%dma_start3A_410 : memref<128x16xf32, #tpu.memory_space<vmem>>) offsets(%dma_start3A_413 : memref<128xi32, #tpu.memory_space<vmem>>) semaphore(%arg26 : memref<!tpu.dma_semaphore, #tpu.memory_space<semaphore_mem>>)
    %dma_start3A_417 = arith.constant 3 : i32
    %dma_start3A_418 = arith.constant 384 : i32
    %dma_start3A_419 = tpu.memref_slice %arg20[%dma_start3A_418] : memref<512xf32, #tpu.memory_space<vmem>> -> memref<128xf32, #tpu.memory_space<vmem>>
    %dma_start3A_420 = arith.constant 0 : i32
    %dma_start3A_421 = tpu.memref_slice %arg14[%dma_start3A_417, %dma_start3A_420] : memref<4x128xi32, #tpu.memory_space<vmem>> -> memref<1x128xi32, #tpu.memory_space<vmem>>
    %dma_start3A_422 = tpu.memref_squeeze %dma_start3A_421 : memref<1x128xi32, #tpu.memory_space<vmem>> -> memref<128xi32, #tpu.memory_space<vmem>>
    %dma_start3A_423 = arith.constant 0 : i32
    %dma_start3A_424 = tpu.memref_slice %arg8[%dma_start3A_423] : memref<1000000xf32, #tpu.memory_space<hbm>> -> memref<1000000xf32, #tpu.memory_space<hbm>>
    tpu.enqueue_indirect_dma source(%dma_start3A_424 : memref<1000000xf32, #tpu.memory_space<hbm>>) target(%dma_start3A_419 : memref<128xf32, #tpu.memory_space<vmem>>) offsets(%dma_start3A_422 : memref<128xi32, #tpu.memory_space<vmem>>) semaphore(%arg26 : memref<!tpu.dma_semaphore, #tpu.memory_space<semaphore_mem>>)
    %dma_start3A_425 = arith.constant 3 : i32
    %dma_start3A_426 = arith.constant 384 : i32
    %dma_start3A_427 = tpu.memref_slice %arg21[%dma_start3A_426] : memref<512xf32, #tpu.memory_space<vmem>> -> memref<128xf32, #tpu.memory_space<vmem>>
    %dma_start3A_428 = arith.constant 0 : i32
    %dma_start3A_429 = tpu.memref_slice %arg15[%dma_start3A_425, %dma_start3A_428] : memref<4x128xi32, #tpu.memory_space<vmem>> -> memref<1x128xi32, #tpu.memory_space<vmem>>
    %dma_start3A_430 = tpu.memref_squeeze %dma_start3A_429 : memref<1x128xi32, #tpu.memory_space<vmem>> -> memref<128xi32, #tpu.memory_space<vmem>>
    %dma_start3A_431 = arith.constant 0 : i32
    %dma_start3A_432 = tpu.memref_slice %arg9[%dma_start3A_431] : memref<1000000xf32, #tpu.memory_space<hbm>> -> memref<1000000xf32, #tpu.memory_space<hbm>>
    tpu.enqueue_indirect_dma source(%dma_start3A_432 : memref<1000000xf32, #tpu.memory_space<hbm>>) target(%dma_start3A_427 : memref<128xf32, #tpu.memory_space<vmem>>) offsets(%dma_start3A_430 : memref<128xi32, #tpu.memory_space<vmem>>) semaphore(%arg26 : memref<!tpu.dma_semaphore, #tpu.memory_space<semaphore_mem>>)
    %dma_start3A_433 = arith.constant 3 : i32
    %dma_start3A_434 = arith.constant 384 : i32
    %dma_start3A_435 = tpu.memref_slice %arg22[%dma_start3A_434] : memref<512xf32, #tpu.memory_space<vmem>> -> memref<128xf32, #tpu.memory_space<vmem>>
    %dma_start3A_436 = arith.constant 0 : i32
    %dma_start3A_437 = tpu.memref_slice %arg14[%dma_start3A_433, %dma_start3A_436] : memref<4x128xi32, #tpu.memory_space<vmem>> -> memref<1x128xi32, #tpu.memory_space<vmem>>
    %dma_start3A_438 = tpu.memref_squeeze %dma_start3A_437 : memref<1x128xi32, #tpu.memory_space<vmem>> -> memref<128xi32, #tpu.memory_space<vmem>>
    %dma_start3A_439 = arith.constant 0 : i32
    %dma_start3A_440 = tpu.memref_slice %arg10[%dma_start3A_439] : memref<1000000xf32, #tpu.memory_space<hbm>> -> memref<1000000xf32, #tpu.memory_space<hbm>>
    tpu.enqueue_indirect_dma source(%dma_start3A_440 : memref<1000000xf32, #tpu.memory_space<hbm>>) target(%dma_start3A_435 : memref<128xf32, #tpu.memory_space<vmem>>) offsets(%dma_start3A_438 : memref<128xi32, #tpu.memory_space<vmem>>) semaphore(%arg26 : memref<!tpu.dma_semaphore, #tpu.memory_space<semaphore_mem>>)
    %dma_start3A_441 = arith.constant 3 : i32
    %dma_start3A_442 = arith.constant 384 : i32
    %dma_start3A_443 = tpu.memref_slice %arg23[%dma_start3A_442] : memref<512xf32, #tpu.memory_space<vmem>> -> memref<128xf32, #tpu.memory_space<vmem>>
    %dma_start3A_444 = arith.constant 0 : i32
    %dma_start3A_445 = tpu.memref_slice %arg15[%dma_start3A_441, %dma_start3A_444] : memref<4x128xi32, #tpu.memory_space<vmem>> -> memref<1x128xi32, #tpu.memory_space<vmem>>
    %dma_start3A_446 = tpu.memref_squeeze %dma_start3A_445 : memref<1x128xi32, #tpu.memory_space<vmem>> -> memref<128xi32, #tpu.memory_space<vmem>>
    %dma_start3A_447 = arith.constant 0 : i32
    %dma_start3A_448 = tpu.memref_slice %arg11[%dma_start3A_447] : memref<1000000xf32, #tpu.memory_space<hbm>> -> memref<1000000xf32, #tpu.memory_space<hbm>>
    tpu.enqueue_indirect_dma source(%dma_start3A_448 : memref<1000000xf32, #tpu.memory_space<hbm>>) target(%dma_start3A_443 : memref<128xf32, #tpu.memory_space<vmem>>) offsets(%dma_start3A_446 : memref<128xi32, #tpu.memory_space<vmem>>) semaphore(%arg26 : memref<!tpu.dma_semaphore, #tpu.memory_space<semaphore_mem>>)
    %dma_wait3A_449 = arith.constant 0 : i32
    %dma_wait3A_450 = arith.constant 0 : i32
    %dma_wait3A_451 = arith.constant 0 : i32
    %dma_wait3A_452 = tpu.memref_slice %arg16[%dma_wait3A_450, %dma_wait3A_451] : memref<512x16xf32, #tpu.memory_space<vmem>> -> memref<128x16xf32, #tpu.memory_space<vmem>>
    %dma_wait3A_453 = arith.constant 0 : i32
    %dma_wait3A_454 = tpu.memref_slice %arg14[%dma_wait3A_449, %dma_wait3A_453] : memref<4x128xi32, #tpu.memory_space<vmem>> -> memref<1x128xi32, #tpu.memory_space<vmem>>
    %dma_wait3A_455 = tpu.memref_squeeze %dma_wait3A_454 : memref<1x128xi32, #tpu.memory_space<vmem>> -> memref<128xi32, #tpu.memory_space<vmem>>
    %dma_wait3A_456 = arith.constant 0 : i32
    %dma_wait3A_457 = arith.constant 0 : i32
    %dma_wait3A_458 = tpu.memref_slice %arg4[%dma_wait3A_456, %dma_wait3A_457] : memref<1000000x16xf32, #tpu.memory_space<hbm>> -> memref<1000000x16xf32, #tpu.memory_space<hbm>>
    tpu.wait_indirect_dma semaphore(%arg26 : memref<!tpu.dma_semaphore, #tpu.memory_space<semaphore_mem>>) src(%dma_wait3A_458 : memref<1000000x16xf32, #tpu.memory_space<hbm>>) dst(%dma_wait3A_452 : memref<128x16xf32, #tpu.memory_space<vmem>>)
    %dma_wait3A_459 = arith.constant 0 : i32
    %dma_wait3A_460 = arith.constant 0 : i32
    %dma_wait3A_461 = arith.constant 0 : i32
    %dma_wait3A_462 = tpu.memref_slice %arg17[%dma_wait3A_460, %dma_wait3A_461] : memref<512x16xf32, #tpu.memory_space<vmem>> -> memref<128x16xf32, #tpu.memory_space<vmem>>
    %dma_wait3A_463 = arith.constant 0 : i32
    %dma_wait3A_464 = tpu.memref_slice %arg15[%dma_wait3A_459, %dma_wait3A_463] : memref<4x128xi32, #tpu.memory_space<vmem>> -> memref<1x128xi32, #tpu.memory_space<vmem>>
    %dma_wait3A_465 = tpu.memref_squeeze %dma_wait3A_464 : memref<1x128xi32, #tpu.memory_space<vmem>> -> memref<128xi32, #tpu.memory_space<vmem>>
    %dma_wait3A_466 = arith.constant 0 : i32
    %dma_wait3A_467 = arith.constant 0 : i32
    %dma_wait3A_468 = tpu.memref_slice %arg5[%dma_wait3A_466, %dma_wait3A_467] : memref<1000000x16xf32, #tpu.memory_space<hbm>> -> memref<1000000x16xf32, #tpu.memory_space<hbm>>
    tpu.wait_indirect_dma semaphore(%arg26 : memref<!tpu.dma_semaphore, #tpu.memory_space<semaphore_mem>>) src(%dma_wait3A_468 : memref<1000000x16xf32, #tpu.memory_space<hbm>>) dst(%dma_wait3A_462 : memref<128x16xf32, #tpu.memory_space<vmem>>)
    %dma_wait3A_469 = arith.constant 0 : i32
    %dma_wait3A_470 = arith.constant 0 : i32
    %dma_wait3A_471 = arith.constant 0 : i32
    %dma_wait3A_472 = tpu.memref_slice %arg18[%dma_wait3A_470, %dma_wait3A_471] : memref<512x16xf32, #tpu.memory_space<vmem>> -> memref<128x16xf32, #tpu.memory_space<vmem>>
    %dma_wait3A_473 = arith.constant 0 : i32
    %dma_wait3A_474 = tpu.memref_slice %arg14[%dma_wait3A_469, %dma_wait3A_473] : memref<4x128xi32, #tpu.memory_space<vmem>> -> memref<1x128xi32, #tpu.memory_space<vmem>>
    %dma_wait3A_475 = tpu.memref_squeeze %dma_wait3A_474 : memref<1x128xi32, #tpu.memory_space<vmem>> -> memref<128xi32, #tpu.memory_space<vmem>>
    %dma_wait3A_476 = arith.constant 0 : i32
    %dma_wait3A_477 = arith.constant 0 : i32
    %dma_wait3A_478 = tpu.memref_slice %arg6[%dma_wait3A_476, %dma_wait3A_477] : memref<1000000x16xf32, #tpu.memory_space<hbm>> -> memref<1000000x16xf32, #tpu.memory_space<hbm>>
    tpu.wait_indirect_dma semaphore(%arg26 : memref<!tpu.dma_semaphore, #tpu.memory_space<semaphore_mem>>) src(%dma_wait3A_478 : memref<1000000x16xf32, #tpu.memory_space<hbm>>) dst(%dma_wait3A_472 : memref<128x16xf32, #tpu.memory_space<vmem>>)
    %dma_wait3A_479 = arith.constant 0 : i32
    %dma_wait3A_480 = arith.constant 0 : i32
    %dma_wait3A_481 = arith.constant 0 : i32
    %dma_wait3A_482 = tpu.memref_slice %arg19[%dma_wait3A_480, %dma_wait3A_481] : memref<512x16xf32, #tpu.memory_space<vmem>> -> memref<128x16xf32, #tpu.memory_space<vmem>>
    %dma_wait3A_483 = arith.constant 0 : i32
    %dma_wait3A_484 = tpu.memref_slice %arg15[%dma_wait3A_479, %dma_wait3A_483] : memref<4x128xi32, #tpu.memory_space<vmem>> -> memref<1x128xi32, #tpu.memory_space<vmem>>
    %dma_wait3A_485 = tpu.memref_squeeze %dma_wait3A_484 : memref<1x128xi32, #tpu.memory_space<vmem>> -> memref<128xi32, #tpu.memory_space<vmem>>
    %dma_wait3A_486 = arith.constant 0 : i32
    %dma_wait3A_487 = arith.constant 0 : i32
    %dma_wait3A_488 = tpu.memref_slice %arg7[%dma_wait3A_486, %dma_wait3A_487] : memref<1000000x16xf32, #tpu.memory_space<hbm>> -> memref<1000000x16xf32, #tpu.memory_space<hbm>>
    tpu.wait_indirect_dma semaphore(%arg26 : memref<!tpu.dma_semaphore, #tpu.memory_space<semaphore_mem>>) src(%dma_wait3A_488 : memref<1000000x16xf32, #tpu.memory_space<hbm>>) dst(%dma_wait3A_482 : memref<128x16xf32, #tpu.memory_space<vmem>>)
    %dma_wait3A_489 = arith.constant 0 : i32
    %dma_wait3A_490 = arith.constant 0 : i32
    %dma_wait3A_491 = tpu.memref_slice %arg20[%dma_wait3A_490] : memref<512xf32, #tpu.memory_space<vmem>> -> memref<128xf32, #tpu.memory_space<vmem>>
    %dma_wait3A_492 = arith.constant 0 : i32
    %dma_wait3A_493 = tpu.memref_slice %arg14[%dma_wait3A_489, %dma_wait3A_492] : memref<4x128xi32, #tpu.memory_space<vmem>> -> memref<1x128xi32, #tpu.memory_space<vmem>>
    %dma_wait3A_494 = tpu.memref_squeeze %dma_wait3A_493 : memref<1x128xi32, #tpu.memory_space<vmem>> -> memref<128xi32, #tpu.memory_space<vmem>>
    %dma_wait3A_495 = arith.constant 0 : i32
    %dma_wait3A_496 = tpu.memref_slice %arg8[%dma_wait3A_495] : memref<1000000xf32, #tpu.memory_space<hbm>> -> memref<1000000xf32, #tpu.memory_space<hbm>>
    tpu.wait_indirect_dma semaphore(%arg26 : memref<!tpu.dma_semaphore, #tpu.memory_space<semaphore_mem>>) src(%dma_wait3A_496 : memref<1000000xf32, #tpu.memory_space<hbm>>) dst(%dma_wait3A_491 : memref<128xf32, #tpu.memory_space<vmem>>)
    %dma_wait3A_497 = arith.constant 0 : i32
    %dma_wait3A_498 = arith.constant 0 : i32
    %dma_wait3A_499 = tpu.memref_slice %arg21[%dma_wait3A_498] : memref<512xf32, #tpu.memory_space<vmem>> -> memref<128xf32, #tpu.memory_space<vmem>>
    %dma_wait3A_500 = arith.constant 0 : i32
    %dma_wait3A_501 = tpu.memref_slice %arg15[%dma_wait3A_497, %dma_wait3A_500] : memref<4x128xi32, #tpu.memory_space<vmem>> -> memref<1x128xi32, #tpu.memory_space<vmem>>
    %dma_wait3A_502 = tpu.memref_squeeze %dma_wait3A_501 : memref<1x128xi32, #tpu.memory_space<vmem>> -> memref<128xi32, #tpu.memory_space<vmem>>
    %dma_wait3A_503 = arith.constant 0 : i32
    %dma_wait3A_504 = tpu.memref_slice %arg9[%dma_wait3A_503] : memref<1000000xf32, #tpu.memory_space<hbm>> -> memref<1000000xf32, #tpu.memory_space<hbm>>
    tpu.wait_indirect_dma semaphore(%arg26 : memref<!tpu.dma_semaphore, #tpu.memory_space<semaphore_mem>>) src(%dma_wait3A_504 : memref<1000000xf32, #tpu.memory_space<hbm>>) dst(%dma_wait3A_499 : memref<128xf32, #tpu.memory_space<vmem>>)
    %dma_wait3A_505 = arith.constant 0 : i32
    %dma_wait3A_506 = arith.constant 0 : i32
    %dma_wait3A_507 = tpu.memref_slice %arg22[%dma_wait3A_506] : memref<512xf32, #tpu.memory_space<vmem>> -> memref<128xf32, #tpu.memory_space<vmem>>
    %dma_wait3A_508 = arith.constant 0 : i32
    %dma_wait3A_509 = tpu.memref_slice %arg14[%dma_wait3A_505, %dma_wait3A_508] : memref<4x128xi32, #tpu.memory_space<vmem>> -> memref<1x128xi32, #tpu.memory_space<vmem>>
    %dma_wait3A_510 = tpu.memref_squeeze %dma_wait3A_509 : memref<1x128xi32, #tpu.memory_space<vmem>> -> memref<128xi32, #tpu.memory_space<vmem>>
    %dma_wait3A_511 = arith.constant 0 : i32
    %dma_wait3A_512 = tpu.memref_slice %arg10[%dma_wait3A_511] : memref<1000000xf32, #tpu.memory_space<hbm>> -> memref<1000000xf32, #tpu.memory_space<hbm>>
    tpu.wait_indirect_dma semaphore(%arg26 : memref<!tpu.dma_semaphore, #tpu.memory_space<semaphore_mem>>) src(%dma_wait3A_512 : memref<1000000xf32, #tpu.memory_space<hbm>>) dst(%dma_wait3A_507 : memref<128xf32, #tpu.memory_space<vmem>>)
    %dma_wait3A_513 = arith.constant 0 : i32
    %dma_wait3A_514 = arith.constant 0 : i32
    %dma_wait3A_515 = tpu.memref_slice %arg23[%dma_wait3A_514] : memref<512xf32, #tpu.memory_space<vmem>> -> memref<128xf32, #tpu.memory_space<vmem>>
    %dma_wait3A_516 = arith.constant 0 : i32
    %dma_wait3A_517 = tpu.memref_slice %arg15[%dma_wait3A_513, %dma_wait3A_516] : memref<4x128xi32, #tpu.memory_space<vmem>> -> memref<1x128xi32, #tpu.memory_space<vmem>>
    %dma_wait3A_518 = tpu.memref_squeeze %dma_wait3A_517 : memref<1x128xi32, #tpu.memory_space<vmem>> -> memref<128xi32, #tpu.memory_space<vmem>>
    %dma_wait3A_519 = arith.constant 0 : i32
    %dma_wait3A_520 = tpu.memref_slice %arg11[%dma_wait3A_519] : memref<1000000xf32, #tpu.memory_space<hbm>> -> memref<1000000xf32, #tpu.memory_space<hbm>>
    tpu.wait_indirect_dma semaphore(%arg26 : memref<!tpu.dma_semaphore, #tpu.memory_space<semaphore_mem>>) src(%dma_wait3A_520 : memref<1000000xf32, #tpu.memory_space<hbm>>) dst(%dma_wait3A_515 : memref<128xf32, #tpu.memory_space<vmem>>)
    %dma_wait3A_521 = arith.constant 1 : i32
    %dma_wait3A_522 = arith.constant 128 : i32
    %dma_wait3A_523 = arith.constant 0 : i32
    %dma_wait3A_524 = tpu.memref_slice %arg16[%dma_wait3A_522, %dma_wait3A_523] : memref<512x16xf32, #tpu.memory_space<vmem>> -> memref<128x16xf32, #tpu.memory_space<vmem>>
    %dma_wait3A_525 = arith.constant 0 : i32
    %dma_wait3A_526 = tpu.memref_slice %arg14[%dma_wait3A_521, %dma_wait3A_525] : memref<4x128xi32, #tpu.memory_space<vmem>> -> memref<1x128xi32, #tpu.memory_space<vmem>>
    %dma_wait3A_527 = tpu.memref_squeeze %dma_wait3A_526 : memref<1x128xi32, #tpu.memory_space<vmem>> -> memref<128xi32, #tpu.memory_space<vmem>>
    %dma_wait3A_528 = arith.constant 0 : i32
    %dma_wait3A_529 = arith.constant 0 : i32
    %dma_wait3A_530 = tpu.memref_slice %arg4[%dma_wait3A_528, %dma_wait3A_529] : memref<1000000x16xf32, #tpu.memory_space<hbm>> -> memref<1000000x16xf32, #tpu.memory_space<hbm>>
    tpu.wait_indirect_dma semaphore(%arg26 : memref<!tpu.dma_semaphore, #tpu.memory_space<semaphore_mem>>) src(%dma_wait3A_530 : memref<1000000x16xf32, #tpu.memory_space<hbm>>) dst(%dma_wait3A_524 : memref<128x16xf32, #tpu.memory_space<vmem>>)
    %dma_wait3A_531 = arith.constant 1 : i32
    %dma_wait3A_532 = arith.constant 128 : i32
    %dma_wait3A_533 = arith.constant 0 : i32
    %dma_wait3A_534 = tpu.memref_slice %arg17[%dma_wait3A_532, %dma_wait3A_533] : memref<512x16xf32, #tpu.memory_space<vmem>> -> memref<128x16xf32, #tpu.memory_space<vmem>>
    %dma_wait3A_535 = arith.constant 0 : i32
    %dma_wait3A_536 = tpu.memref_slice %arg15[%dma_wait3A_531, %dma_wait3A_535] : memref<4x128xi32, #tpu.memory_space<vmem>> -> memref<1x128xi32, #tpu.memory_space<vmem>>
    %dma_wait3A_537 = tpu.memref_squeeze %dma_wait3A_536 : memref<1x128xi32, #tpu.memory_space<vmem>> -> memref<128xi32, #tpu.memory_space<vmem>>
    %dma_wait3A_538 = arith.constant 0 : i32
    %dma_wait3A_539 = arith.constant 0 : i32
    %dma_wait3A_540 = tpu.memref_slice %arg5[%dma_wait3A_538, %dma_wait3A_539] : memref<1000000x16xf32, #tpu.memory_space<hbm>> -> memref<1000000x16xf32, #tpu.memory_space<hbm>>
    tpu.wait_indirect_dma semaphore(%arg26 : memref<!tpu.dma_semaphore, #tpu.memory_space<semaphore_mem>>) src(%dma_wait3A_540 : memref<1000000x16xf32, #tpu.memory_space<hbm>>) dst(%dma_wait3A_534 : memref<128x16xf32, #tpu.memory_space<vmem>>)
    %dma_wait3A_541 = arith.constant 1 : i32
    %dma_wait3A_542 = arith.constant 128 : i32
    %dma_wait3A_543 = arith.constant 0 : i32
    %dma_wait3A_544 = tpu.memref_slice %arg18[%dma_wait3A_542, %dma_wait3A_543] : memref<512x16xf32, #tpu.memory_space<vmem>> -> memref<128x16xf32, #tpu.memory_space<vmem>>
    %dma_wait3A_545 = arith.constant 0 : i32
    %dma_wait3A_546 = tpu.memref_slice %arg14[%dma_wait3A_541, %dma_wait3A_545] : memref<4x128xi32, #tpu.memory_space<vmem>> -> memref<1x128xi32, #tpu.memory_space<vmem>>
    %dma_wait3A_547 = tpu.memref_squeeze %dma_wait3A_546 : memref<1x128xi32, #tpu.memory_space<vmem>> -> memref<128xi32, #tpu.memory_space<vmem>>
    %dma_wait3A_548 = arith.constant 0 : i32
    %dma_wait3A_549 = arith.constant 0 : i32
    %dma_wait3A_550 = tpu.memref_slice %arg6[%dma_wait3A_548, %dma_wait3A_549] : memref<1000000x16xf32, #tpu.memory_space<hbm>> -> memref<1000000x16xf32, #tpu.memory_space<hbm>>
    tpu.wait_indirect_dma semaphore(%arg26 : memref<!tpu.dma_semaphore, #tpu.memory_space<semaphore_mem>>) src(%dma_wait3A_550 : memref<1000000x16xf32, #tpu.memory_space<hbm>>) dst(%dma_wait3A_544 : memref<128x16xf32, #tpu.memory_space<vmem>>)
    %dma_wait3A_551 = arith.constant 1 : i32
    %dma_wait3A_552 = arith.constant 128 : i32
    %dma_wait3A_553 = arith.constant 0 : i32
    %dma_wait3A_554 = tpu.memref_slice %arg19[%dma_wait3A_552, %dma_wait3A_553] : memref<512x16xf32, #tpu.memory_space<vmem>> -> memref<128x16xf32, #tpu.memory_space<vmem>>
    %dma_wait3A_555 = arith.constant 0 : i32
    %dma_wait3A_556 = tpu.memref_slice %arg15[%dma_wait3A_551, %dma_wait3A_555] : memref<4x128xi32, #tpu.memory_space<vmem>> -> memref<1x128xi32, #tpu.memory_space<vmem>>
    %dma_wait3A_557 = tpu.memref_squeeze %dma_wait3A_556 : memref<1x128xi32, #tpu.memory_space<vmem>> -> memref<128xi32, #tpu.memory_space<vmem>>
    %dma_wait3A_558 = arith.constant 0 : i32
    %dma_wait3A_559 = arith.constant 0 : i32
    %dma_wait3A_560 = tpu.memref_slice %arg7[%dma_wait3A_558, %dma_wait3A_559] : memref<1000000x16xf32, #tpu.memory_space<hbm>> -> memref<1000000x16xf32, #tpu.memory_space<hbm>>
    tpu.wait_indirect_dma semaphore(%arg26 : memref<!tpu.dma_semaphore, #tpu.memory_space<semaphore_mem>>) src(%dma_wait3A_560 : memref<1000000x16xf32, #tpu.memory_space<hbm>>) dst(%dma_wait3A_554 : memref<128x16xf32, #tpu.memory_space<vmem>>)
    %dma_wait3A_561 = arith.constant 1 : i32
    %dma_wait3A_562 = arith.constant 128 : i32
    %dma_wait3A_563 = tpu.memref_slice %arg20[%dma_wait3A_562] : memref<512xf32, #tpu.memory_space<vmem>> -> memref<128xf32, #tpu.memory_space<vmem>>
    %dma_wait3A_564 = arith.constant 0 : i32
    %dma_wait3A_565 = tpu.memref_slice %arg14[%dma_wait3A_561, %dma_wait3A_564] : memref<4x128xi32, #tpu.memory_space<vmem>> -> memref<1x128xi32, #tpu.memory_space<vmem>>
    %dma_wait3A_566 = tpu.memref_squeeze %dma_wait3A_565 : memref<1x128xi32, #tpu.memory_space<vmem>> -> memref<128xi32, #tpu.memory_space<vmem>>
    %dma_wait3A_567 = arith.constant 0 : i32
    %dma_wait3A_568 = tpu.memref_slice %arg8[%dma_wait3A_567] : memref<1000000xf32, #tpu.memory_space<hbm>> -> memref<1000000xf32, #tpu.memory_space<hbm>>
    tpu.wait_indirect_dma semaphore(%arg26 : memref<!tpu.dma_semaphore, #tpu.memory_space<semaphore_mem>>) src(%dma_wait3A_568 : memref<1000000xf32, #tpu.memory_space<hbm>>) dst(%dma_wait3A_563 : memref<128xf32, #tpu.memory_space<vmem>>)
    %dma_wait3A_569 = arith.constant 1 : i32
    %dma_wait3A_570 = arith.constant 128 : i32
    %dma_wait3A_571 = tpu.memref_slice %arg21[%dma_wait3A_570] : memref<512xf32, #tpu.memory_space<vmem>> -> memref<128xf32, #tpu.memory_space<vmem>>
    %dma_wait3A_572 = arith.constant 0 : i32
    %dma_wait3A_573 = tpu.memref_slice %arg15[%dma_wait3A_569, %dma_wait3A_572] : memref<4x128xi32, #tpu.memory_space<vmem>> -> memref<1x128xi32, #tpu.memory_space<vmem>>
    %dma_wait3A_574 = tpu.memref_squeeze %dma_wait3A_573 : memref<1x128xi32, #tpu.memory_space<vmem>> -> memref<128xi32, #tpu.memory_space<vmem>>
    %dma_wait3A_575 = arith.constant 0 : i32
    %dma_wait3A_576 = tpu.memref_slice %arg9[%dma_wait3A_575] : memref<1000000xf32, #tpu.memory_space<hbm>> -> memref<1000000xf32, #tpu.memory_space<hbm>>
    tpu.wait_indirect_dma semaphore(%arg26 : memref<!tpu.dma_semaphore, #tpu.memory_space<semaphore_mem>>) src(%dma_wait3A_576 : memref<1000000xf32, #tpu.memory_space<hbm>>) dst(%dma_wait3A_571 : memref<128xf32, #tpu.memory_space<vmem>>)
    %dma_wait3A_577 = arith.constant 1 : i32
    %dma_wait3A_578 = arith.constant 128 : i32
    %dma_wait3A_579 = tpu.memref_slice %arg22[%dma_wait3A_578] : memref<512xf32, #tpu.memory_space<vmem>> -> memref<128xf32, #tpu.memory_space<vmem>>
    %dma_wait3A_580 = arith.constant 0 : i32
    %dma_wait3A_581 = tpu.memref_slice %arg14[%dma_wait3A_577, %dma_wait3A_580] : memref<4x128xi32, #tpu.memory_space<vmem>> -> memref<1x128xi32, #tpu.memory_space<vmem>>
    %dma_wait3A_582 = tpu.memref_squeeze %dma_wait3A_581 : memref<1x128xi32, #tpu.memory_space<vmem>> -> memref<128xi32, #tpu.memory_space<vmem>>
    %dma_wait3A_583 = arith.constant 0 : i32
    %dma_wait3A_584 = tpu.memref_slice %arg10[%dma_wait3A_583] : memref<1000000xf32, #tpu.memory_space<hbm>> -> memref<1000000xf32, #tpu.memory_space<hbm>>
    tpu.wait_indirect_dma semaphore(%arg26 : memref<!tpu.dma_semaphore, #tpu.memory_space<semaphore_mem>>) src(%dma_wait3A_584 : memref<1000000xf32, #tpu.memory_space<hbm>>) dst(%dma_wait3A_579 : memref<128xf32, #tpu.memory_space<vmem>>)
    %dma_wait3A_585 = arith.constant 1 : i32
    %dma_wait3A_586 = arith.constant 128 : i32
    %dma_wait3A_587 = tpu.memref_slice %arg23[%dma_wait3A_586] : memref<512xf32, #tpu.memory_space<vmem>> -> memref<128xf32, #tpu.memory_space<vmem>>
    %dma_wait3A_588 = arith.constant 0 : i32
    %dma_wait3A_589 = tpu.memref_slice %arg15[%dma_wait3A_585, %dma_wait3A_588] : memref<4x128xi32, #tpu.memory_space<vmem>> -> memref<1x128xi32, #tpu.memory_space<vmem>>
    %dma_wait3A_590 = tpu.memref_squeeze %dma_wait3A_589 : memref<1x128xi32, #tpu.memory_space<vmem>> -> memref<128xi32, #tpu.memory_space<vmem>>
    %dma_wait3A_591 = arith.constant 0 : i32
    %dma_wait3A_592 = tpu.memref_slice %arg11[%dma_wait3A_591] : memref<1000000xf32, #tpu.memory_space<hbm>> -> memref<1000000xf32, #tpu.memory_space<hbm>>
    tpu.wait_indirect_dma semaphore(%arg26 : memref<!tpu.dma_semaphore, #tpu.memory_space<semaphore_mem>>) src(%dma_wait3A_592 : memref<1000000xf32, #tpu.memory_space<hbm>>) dst(%dma_wait3A_587 : memref<128xf32, #tpu.memory_space<vmem>>)
    %dma_wait3A_593 = arith.constant 2 : i32
    %dma_wait3A_594 = arith.constant 256 : i32
    %dma_wait3A_595 = arith.constant 0 : i32
    %dma_wait3A_596 = tpu.memref_slice %arg16[%dma_wait3A_594, %dma_wait3A_595] : memref<512x16xf32, #tpu.memory_space<vmem>> -> memref<128x16xf32, #tpu.memory_space<vmem>>
    %dma_wait3A_597 = arith.constant 0 : i32
    %dma_wait3A_598 = tpu.memref_slice %arg14[%dma_wait3A_593, %dma_wait3A_597] : memref<4x128xi32, #tpu.memory_space<vmem>> -> memref<1x128xi32, #tpu.memory_space<vmem>>
    %dma_wait3A_599 = tpu.memref_squeeze %dma_wait3A_598 : memref<1x128xi32, #tpu.memory_space<vmem>> -> memref<128xi32, #tpu.memory_space<vmem>>
    %dma_wait3A_600 = arith.constant 0 : i32
    %dma_wait3A_601 = arith.constant 0 : i32
    %dma_wait3A_602 = tpu.memref_slice %arg4[%dma_wait3A_600, %dma_wait3A_601] : memref<1000000x16xf32, #tpu.memory_space<hbm>> -> memref<1000000x16xf32, #tpu.memory_space<hbm>>
    tpu.wait_indirect_dma semaphore(%arg26 : memref<!tpu.dma_semaphore, #tpu.memory_space<semaphore_mem>>) src(%dma_wait3A_602 : memref<1000000x16xf32, #tpu.memory_space<hbm>>) dst(%dma_wait3A_596 : memref<128x16xf32, #tpu.memory_space<vmem>>)
    %dma_wait3A_603 = arith.constant 2 : i32
    %dma_wait3A_604 = arith.constant 256 : i32
    %dma_wait3A_605 = arith.constant 0 : i32
    %dma_wait3A_606 = tpu.memref_slice %arg17[%dma_wait3A_604, %dma_wait3A_605] : memref<512x16xf32, #tpu.memory_space<vmem>> -> memref<128x16xf32, #tpu.memory_space<vmem>>
    %dma_wait3A_607 = arith.constant 0 : i32
    %dma_wait3A_608 = tpu.memref_slice %arg15[%dma_wait3A_603, %dma_wait3A_607] : memref<4x128xi32, #tpu.memory_space<vmem>> -> memref<1x128xi32, #tpu.memory_space<vmem>>
    %dma_wait3A_609 = tpu.memref_squeeze %dma_wait3A_608 : memref<1x128xi32, #tpu.memory_space<vmem>> -> memref<128xi32, #tpu.memory_space<vmem>>
    %dma_wait3A_610 = arith.constant 0 : i32
    %dma_wait3A_611 = arith.constant 0 : i32
    %dma_wait3A_612 = tpu.memref_slice %arg5[%dma_wait3A_610, %dma_wait3A_611] : memref<1000000x16xf32, #tpu.memory_space<hbm>> -> memref<1000000x16xf32, #tpu.memory_space<hbm>>
    tpu.wait_indirect_dma semaphore(%arg26 : memref<!tpu.dma_semaphore, #tpu.memory_space<semaphore_mem>>) src(%dma_wait3A_612 : memref<1000000x16xf32, #tpu.memory_space<hbm>>) dst(%dma_wait3A_606 : memref<128x16xf32, #tpu.memory_space<vmem>>)
    %dma_wait3A_613 = arith.constant 2 : i32
    %dma_wait3A_614 = arith.constant 256 : i32
    %dma_wait3A_615 = arith.constant 0 : i32
    %dma_wait3A_616 = tpu.memref_slice %arg18[%dma_wait3A_614, %dma_wait3A_615] : memref<512x16xf32, #tpu.memory_space<vmem>> -> memref<128x16xf32, #tpu.memory_space<vmem>>
    %dma_wait3A_617 = arith.constant 0 : i32
    %dma_wait3A_618 = tpu.memref_slice %arg14[%dma_wait3A_613, %dma_wait3A_617] : memref<4x128xi32, #tpu.memory_space<vmem>> -> memref<1x128xi32, #tpu.memory_space<vmem>>
    %dma_wait3A_619 = tpu.memref_squeeze %dma_wait3A_618 : memref<1x128xi32, #tpu.memory_space<vmem>> -> memref<128xi32, #tpu.memory_space<vmem>>
    %dma_wait3A_620 = arith.constant 0 : i32
    %dma_wait3A_621 = arith.constant 0 : i32
    %dma_wait3A_622 = tpu.memref_slice %arg6[%dma_wait3A_620, %dma_wait3A_621] : memref<1000000x16xf32, #tpu.memory_space<hbm>> -> memref<1000000x16xf32, #tpu.memory_space<hbm>>
    tpu.wait_indirect_dma semaphore(%arg26 : memref<!tpu.dma_semaphore, #tpu.memory_space<semaphore_mem>>) src(%dma_wait3A_622 : memref<1000000x16xf32, #tpu.memory_space<hbm>>) dst(%dma_wait3A_616 : memref<128x16xf32, #tpu.memory_space<vmem>>)
    %dma_wait3A_623 = arith.constant 2 : i32
    %dma_wait3A_624 = arith.constant 256 : i32
    %dma_wait3A_625 = arith.constant 0 : i32
    %dma_wait3A_626 = tpu.memref_slice %arg19[%dma_wait3A_624, %dma_wait3A_625] : memref<512x16xf32, #tpu.memory_space<vmem>> -> memref<128x16xf32, #tpu.memory_space<vmem>>
    %dma_wait3A_627 = arith.constant 0 : i32
    %dma_wait3A_628 = tpu.memref_slice %arg15[%dma_wait3A_623, %dma_wait3A_627] : memref<4x128xi32, #tpu.memory_space<vmem>> -> memref<1x128xi32, #tpu.memory_space<vmem>>
    %dma_wait3A_629 = tpu.memref_squeeze %dma_wait3A_628 : memref<1x128xi32, #tpu.memory_space<vmem>> -> memref<128xi32, #tpu.memory_space<vmem>>
    %dma_wait3A_630 = arith.constant 0 : i32
    %dma_wait3A_631 = arith.constant 0 : i32
    %dma_wait3A_632 = tpu.memref_slice %arg7[%dma_wait3A_630, %dma_wait3A_631] : memref<1000000x16xf32, #tpu.memory_space<hbm>> -> memref<1000000x16xf32, #tpu.memory_space<hbm>>
    tpu.wait_indirect_dma semaphore(%arg26 : memref<!tpu.dma_semaphore, #tpu.memory_space<semaphore_mem>>) src(%dma_wait3A_632 : memref<1000000x16xf32, #tpu.memory_space<hbm>>) dst(%dma_wait3A_626 : memref<128x16xf32, #tpu.memory_space<vmem>>)
    %dma_wait3A_633 = arith.constant 2 : i32
    %dma_wait3A_634 = arith.constant 256 : i32
    %dma_wait3A_635 = tpu.memref_slice %arg20[%dma_wait3A_634] : memref<512xf32, #tpu.memory_space<vmem>> -> memref<128xf32, #tpu.memory_space<vmem>>
    %dma_wait3A_636 = arith.constant 0 : i32
    %dma_wait3A_637 = tpu.memref_slice %arg14[%dma_wait3A_633, %dma_wait3A_636] : memref<4x128xi32, #tpu.memory_space<vmem>> -> memref<1x128xi32, #tpu.memory_space<vmem>>
    %dma_wait3A_638 = tpu.memref_squeeze %dma_wait3A_637 : memref<1x128xi32, #tpu.memory_space<vmem>> -> memref<128xi32, #tpu.memory_space<vmem>>
    %dma_wait3A_639 = arith.constant 0 : i32
    %dma_wait3A_640 = tpu.memref_slice %arg8[%dma_wait3A_639] : memref<1000000xf32, #tpu.memory_space<hbm>> -> memref<1000000xf32, #tpu.memory_space<hbm>>
    tpu.wait_indirect_dma semaphore(%arg26 : memref<!tpu.dma_semaphore, #tpu.memory_space<semaphore_mem>>) src(%dma_wait3A_640 : memref<1000000xf32, #tpu.memory_space<hbm>>) dst(%dma_wait3A_635 : memref<128xf32, #tpu.memory_space<vmem>>)
    %dma_wait3A_641 = arith.constant 2 : i32
    %dma_wait3A_642 = arith.constant 256 : i32
    %dma_wait3A_643 = tpu.memref_slice %arg21[%dma_wait3A_642] : memref<512xf32, #tpu.memory_space<vmem>> -> memref<128xf32, #tpu.memory_space<vmem>>
    %dma_wait3A_644 = arith.constant 0 : i32
    %dma_wait3A_645 = tpu.memref_slice %arg15[%dma_wait3A_641, %dma_wait3A_644] : memref<4x128xi32, #tpu.memory_space<vmem>> -> memref<1x128xi32, #tpu.memory_space<vmem>>
    %dma_wait3A_646 = tpu.memref_squeeze %dma_wait3A_645 : memref<1x128xi32, #tpu.memory_space<vmem>> -> memref<128xi32, #tpu.memory_space<vmem>>
    %dma_wait3A_647 = arith.constant 0 : i32
    %dma_wait3A_648 = tpu.memref_slice %arg9[%dma_wait3A_647] : memref<1000000xf32, #tpu.memory_space<hbm>> -> memref<1000000xf32, #tpu.memory_space<hbm>>
    tpu.wait_indirect_dma semaphore(%arg26 : memref<!tpu.dma_semaphore, #tpu.memory_space<semaphore_mem>>) src(%dma_wait3A_648 : memref<1000000xf32, #tpu.memory_space<hbm>>) dst(%dma_wait3A_643 : memref<128xf32, #tpu.memory_space<vmem>>)
    %dma_wait3A_649 = arith.constant 2 : i32
    %dma_wait3A_650 = arith.constant 256 : i32
    %dma_wait3A_651 = tpu.memref_slice %arg22[%dma_wait3A_650] : memref<512xf32, #tpu.memory_space<vmem>> -> memref<128xf32, #tpu.memory_space<vmem>>
    %dma_wait3A_652 = arith.constant 0 : i32
    %dma_wait3A_653 = tpu.memref_slice %arg14[%dma_wait3A_649, %dma_wait3A_652] : memref<4x128xi32, #tpu.memory_space<vmem>> -> memref<1x128xi32, #tpu.memory_space<vmem>>
    %dma_wait3A_654 = tpu.memref_squeeze %dma_wait3A_653 : memref<1x128xi32, #tpu.memory_space<vmem>> -> memref<128xi32, #tpu.memory_space<vmem>>
    %dma_wait3A_655 = arith.constant 0 : i32
    %dma_wait3A_656 = tpu.memref_slice %arg10[%dma_wait3A_655] : memref<1000000xf32, #tpu.memory_space<hbm>> -> memref<1000000xf32, #tpu.memory_space<hbm>>
    tpu.wait_indirect_dma semaphore(%arg26 : memref<!tpu.dma_semaphore, #tpu.memory_space<semaphore_mem>>) src(%dma_wait3A_656 : memref<1000000xf32, #tpu.memory_space<hbm>>) dst(%dma_wait3A_651 : memref<128xf32, #tpu.memory_space<vmem>>)
    %dma_wait3A_657 = arith.constant 2 : i32
    %dma_wait3A_658 = arith.constant 256 : i32
    %dma_wait3A_659 = tpu.memref_slice %arg23[%dma_wait3A_658] : memref<512xf32, #tpu.memory_space<vmem>> -> memref<128xf32, #tpu.memory_space<vmem>>
    %dma_wait3A_660 = arith.constant 0 : i32
    %dma_wait3A_661 = tpu.memref_slice %arg15[%dma_wait3A_657, %dma_wait3A_660] : memref<4x128xi32, #tpu.memory_space<vmem>> -> memref<1x128xi32, #tpu.memory_space<vmem>>
    %dma_wait3A_662 = tpu.memref_squeeze %dma_wait3A_661 : memref<1x128xi32, #tpu.memory_space<vmem>> -> memref<128xi32, #tpu.memory_space<vmem>>
    %dma_wait3A_663 = arith.constant 0 : i32
    %dma_wait3A_664 = tpu.memref_slice %arg11[%dma_wait3A_663] : memref<1000000xf32, #tpu.memory_space<hbm>> -> memref<1000000xf32, #tpu.memory_space<hbm>>
    tpu.wait_indirect_dma semaphore(%arg26 : memref<!tpu.dma_semaphore, #tpu.memory_space<semaphore_mem>>) src(%dma_wait3A_664 : memref<1000000xf32, #tpu.memory_space<hbm>>) dst(%dma_wait3A_659 : memref<128xf32, #tpu.memory_space<vmem>>)
    %dma_wait3A_665 = arith.constant 3 : i32
    %dma_wait3A_666 = arith.constant 384 : i32
    %dma_wait3A_667 = arith.constant 0 : i32
    %dma_wait3A_668 = tpu.memref_slice %arg16[%dma_wait3A_666, %dma_wait3A_667] : memref<512x16xf32, #tpu.memory_space<vmem>> -> memref<128x16xf32, #tpu.memory_space<vmem>>
    %dma_wait3A_669 = arith.constant 0 : i32
    %dma_wait3A_670 = tpu.memref_slice %arg14[%dma_wait3A_665, %dma_wait3A_669] : memref<4x128xi32, #tpu.memory_space<vmem>> -> memref<1x128xi32, #tpu.memory_space<vmem>>
    %dma_wait3A_671 = tpu.memref_squeeze %dma_wait3A_670 : memref<1x128xi32, #tpu.memory_space<vmem>> -> memref<128xi32, #tpu.memory_space<vmem>>
    %dma_wait3A_672 = arith.constant 0 : i32
    %dma_wait3A_673 = arith.constant 0 : i32
    %dma_wait3A_674 = tpu.memref_slice %arg4[%dma_wait3A_672, %dma_wait3A_673] : memref<1000000x16xf32, #tpu.memory_space<hbm>> -> memref<1000000x16xf32, #tpu.memory_space<hbm>>
    tpu.wait_indirect_dma semaphore(%arg26 : memref<!tpu.dma_semaphore, #tpu.memory_space<semaphore_mem>>) src(%dma_wait3A_674 : memref<1000000x16xf32, #tpu.memory_space<hbm>>) dst(%dma_wait3A_668 : memref<128x16xf32, #tpu.memory_space<vmem>>)
    %dma_wait3A_675 = arith.constant 3 : i32
    %dma_wait3A_676 = arith.constant 384 : i32
    %dma_wait3A_677 = arith.constant 0 : i32
    %dma_wait3A_678 = tpu.memref_slice %arg17[%dma_wait3A_676, %dma_wait3A_677] : memref<512x16xf32, #tpu.memory_space<vmem>> -> memref<128x16xf32, #tpu.memory_space<vmem>>
    %dma_wait3A_679 = arith.constant 0 : i32
    %dma_wait3A_680 = tpu.memref_slice %arg15[%dma_wait3A_675, %dma_wait3A_679] : memref<4x128xi32, #tpu.memory_space<vmem>> -> memref<1x128xi32, #tpu.memory_space<vmem>>
    %dma_wait3A_681 = tpu.memref_squeeze %dma_wait3A_680 : memref<1x128xi32, #tpu.memory_space<vmem>> -> memref<128xi32, #tpu.memory_space<vmem>>
    %dma_wait3A_682 = arith.constant 0 : i32
    %dma_wait3A_683 = arith.constant 0 : i32
    %dma_wait3A_684 = tpu.memref_slice %arg5[%dma_wait3A_682, %dma_wait3A_683] : memref<1000000x16xf32, #tpu.memory_space<hbm>> -> memref<1000000x16xf32, #tpu.memory_space<hbm>>
    tpu.wait_indirect_dma semaphore(%arg26 : memref<!tpu.dma_semaphore, #tpu.memory_space<semaphore_mem>>) src(%dma_wait3A_684 : memref<1000000x16xf32, #tpu.memory_space<hbm>>) dst(%dma_wait3A_678 : memref<128x16xf32, #tpu.memory_space<vmem>>)
    %dma_wait3A_685 = arith.constant 3 : i32
    %dma_wait3A_686 = arith.constant 384 : i32
    %dma_wait3A_687 = arith.constant 0 : i32
    %dma_wait3A_688 = tpu.memref_slice %arg18[%dma_wait3A_686, %dma_wait3A_687] : memref<512x16xf32, #tpu.memory_space<vmem>> -> memref<128x16xf32, #tpu.memory_space<vmem>>
    %dma_wait3A_689 = arith.constant 0 : i32
    %dma_wait3A_690 = tpu.memref_slice %arg14[%dma_wait3A_685, %dma_wait3A_689] : memref<4x128xi32, #tpu.memory_space<vmem>> -> memref<1x128xi32, #tpu.memory_space<vmem>>
    %dma_wait3A_691 = tpu.memref_squeeze %dma_wait3A_690 : memref<1x128xi32, #tpu.memory_space<vmem>> -> memref<128xi32, #tpu.memory_space<vmem>>
    %dma_wait3A_692 = arith.constant 0 : i32
    %dma_wait3A_693 = arith.constant 0 : i32
    %dma_wait3A_694 = tpu.memref_slice %arg6[%dma_wait3A_692, %dma_wait3A_693] : memref<1000000x16xf32, #tpu.memory_space<hbm>> -> memref<1000000x16xf32, #tpu.memory_space<hbm>>
    tpu.wait_indirect_dma semaphore(%arg26 : memref<!tpu.dma_semaphore, #tpu.memory_space<semaphore_mem>>) src(%dma_wait3A_694 : memref<1000000x16xf32, #tpu.memory_space<hbm>>) dst(%dma_wait3A_688 : memref<128x16xf32, #tpu.memory_space<vmem>>)
    %dma_wait3A_695 = arith.constant 3 : i32
    %dma_wait3A_696 = arith.constant 384 : i32
    %dma_wait3A_697 = arith.constant 0 : i32
    %dma_wait3A_698 = tpu.memref_slice %arg19[%dma_wait3A_696, %dma_wait3A_697] : memref<512x16xf32, #tpu.memory_space<vmem>> -> memref<128x16xf32, #tpu.memory_space<vmem>>
    %dma_wait3A_699 = arith.constant 0 : i32
    %dma_wait3A_700 = tpu.memref_slice %arg15[%dma_wait3A_695, %dma_wait3A_699] : memref<4x128xi32, #tpu.memory_space<vmem>> -> memref<1x128xi32, #tpu.memory_space<vmem>>
    %dma_wait3A_701 = tpu.memref_squeeze %dma_wait3A_700 : memref<1x128xi32, #tpu.memory_space<vmem>> -> memref<128xi32, #tpu.memory_space<vmem>>
    %dma_wait3A_702 = arith.constant 0 : i32
    %dma_wait3A_703 = arith.constant 0 : i32
    %dma_wait3A_704 = tpu.memref_slice %arg7[%dma_wait3A_702, %dma_wait3A_703] : memref<1000000x16xf32, #tpu.memory_space<hbm>> -> memref<1000000x16xf32, #tpu.memory_space<hbm>>
    tpu.wait_indirect_dma semaphore(%arg26 : memref<!tpu.dma_semaphore, #tpu.memory_space<semaphore_mem>>) src(%dma_wait3A_704 : memref<1000000x16xf32, #tpu.memory_space<hbm>>) dst(%dma_wait3A_698 : memref<128x16xf32, #tpu.memory_space<vmem>>)
    %dma_wait3A_705 = arith.constant 3 : i32
    %dma_wait3A_706 = arith.constant 384 : i32
    %dma_wait3A_707 = tpu.memref_slice %arg20[%dma_wait3A_706] : memref<512xf32, #tpu.memory_space<vmem>> -> memref<128xf32, #tpu.memory_space<vmem>>
    %dma_wait3A_708 = arith.constant 0 : i32
    %dma_wait3A_709 = tpu.memref_slice %arg14[%dma_wait3A_705, %dma_wait3A_708] : memref<4x128xi32, #tpu.memory_space<vmem>> -> memref<1x128xi32, #tpu.memory_space<vmem>>
    %dma_wait3A_710 = tpu.memref_squeeze %dma_wait3A_709 : memref<1x128xi32, #tpu.memory_space<vmem>> -> memref<128xi32, #tpu.memory_space<vmem>>
    %dma_wait3A_711 = arith.constant 0 : i32
    %dma_wait3A_712 = tpu.memref_slice %arg8[%dma_wait3A_711] : memref<1000000xf32, #tpu.memory_space<hbm>> -> memref<1000000xf32, #tpu.memory_space<hbm>>
    tpu.wait_indirect_dma semaphore(%arg26 : memref<!tpu.dma_semaphore, #tpu.memory_space<semaphore_mem>>) src(%dma_wait3A_712 : memref<1000000xf32, #tpu.memory_space<hbm>>) dst(%dma_wait3A_707 : memref<128xf32, #tpu.memory_space<vmem>>)
    %dma_wait3A_713 = arith.constant 3 : i32
    %dma_wait3A_714 = arith.constant 384 : i32
    %dma_wait3A_715 = tpu.memref_slice %arg21[%dma_wait3A_714] : memref<512xf32, #tpu.memory_space<vmem>> -> memref<128xf32, #tpu.memory_space<vmem>>
    %dma_wait3A_716 = arith.constant 0 : i32
    %dma_wait3A_717 = tpu.memref_slice %arg15[%dma_wait3A_713, %dma_wait3A_716] : memref<4x128xi32, #tpu.memory_space<vmem>> -> memref<1x128xi32, #tpu.memory_space<vmem>>
    %dma_wait3A_718 = tpu.memref_squeeze %dma_wait3A_717 : memref<1x128xi32, #tpu.memory_space<vmem>> -> memref<128xi32, #tpu.memory_space<vmem>>
    %dma_wait3A_719 = arith.constant 0 : i32
    %dma_wait3A_720 = tpu.memref_slice %arg9[%dma_wait3A_719] : memref<1000000xf32, #tpu.memory_space<hbm>> -> memref<1000000xf32, #tpu.memory_space<hbm>>
    tpu.wait_indirect_dma semaphore(%arg26 : memref<!tpu.dma_semaphore, #tpu.memory_space<semaphore_mem>>) src(%dma_wait3A_720 : memref<1000000xf32, #tpu.memory_space<hbm>>) dst(%dma_wait3A_715 : memref<128xf32, #tpu.memory_space<vmem>>)
    %dma_wait3A_721 = arith.constant 3 : i32
    %dma_wait3A_722 = arith.constant 384 : i32
    %dma_wait3A_723 = tpu.memref_slice %arg22[%dma_wait3A_722] : memref<512xf32, #tpu.memory_space<vmem>> -> memref<128xf32, #tpu.memory_space<vmem>>
    %dma_wait3A_724 = arith.constant 0 : i32
    %dma_wait3A_725 = tpu.memref_slice %arg14[%dma_wait3A_721, %dma_wait3A_724] : memref<4x128xi32, #tpu.memory_space<vmem>> -> memref<1x128xi32, #tpu.memory_space<vmem>>
    %dma_wait3A_726 = tpu.memref_squeeze %dma_wait3A_725 : memref<1x128xi32, #tpu.memory_space<vmem>> -> memref<128xi32, #tpu.memory_space<vmem>>
    %dma_wait3A_727 = arith.constant 0 : i32
    %dma_wait3A_728 = tpu.memref_slice %arg10[%dma_wait3A_727] : memref<1000000xf32, #tpu.memory_space<hbm>> -> memref<1000000xf32, #tpu.memory_space<hbm>>
    tpu.wait_indirect_dma semaphore(%arg26 : memref<!tpu.dma_semaphore, #tpu.memory_space<semaphore_mem>>) src(%dma_wait3A_728 : memref<1000000xf32, #tpu.memory_space<hbm>>) dst(%dma_wait3A_723 : memref<128xf32, #tpu.memory_space<vmem>>)
    %dma_wait3A_729 = arith.constant 3 : i32
    %dma_wait3A_730 = arith.constant 384 : i32
    %dma_wait3A_731 = tpu.memref_slice %arg23[%dma_wait3A_730] : memref<512xf32, #tpu.memory_space<vmem>> -> memref<128xf32, #tpu.memory_space<vmem>>
    %dma_wait3A_732 = arith.constant 0 : i32
    %dma_wait3A_733 = tpu.memref_slice %arg15[%dma_wait3A_729, %dma_wait3A_732] : memref<4x128xi32, #tpu.memory_space<vmem>> -> memref<1x128xi32, #tpu.memory_space<vmem>>
    %dma_wait3A_734 = tpu.memref_squeeze %dma_wait3A_733 : memref<1x128xi32, #tpu.memory_space<vmem>> -> memref<128xi32, #tpu.memory_space<vmem>>
    %dma_wait3A_735 = arith.constant 0 : i32
    %dma_wait3A_736 = tpu.memref_slice %arg11[%dma_wait3A_735] : memref<1000000xf32, #tpu.memory_space<hbm>> -> memref<1000000xf32, #tpu.memory_space<hbm>>
    tpu.wait_indirect_dma semaphore(%arg26 : memref<!tpu.dma_semaphore, #tpu.memory_space<semaphore_mem>>) src(%dma_wait3A_736 : memref<1000000xf32, #tpu.memory_space<hbm>>) dst(%dma_wait3A_731 : memref<128xf32, #tpu.memory_space<vmem>>)
    %iota3A = tpu.iota {dimensions = array<i32: 0>} : vector<16xi32>
    %get3A = arith.constant 2 : i32
    %get3A_737 = arith.index_cast %get3A : i32 to index
    %get3A_738 = arith.constant 0 : index
    %get3A_739 = tpu.vector_load %arg24[%get3A_737, %get3A_738] {strides = array<i32>} : memref<3x16xf32, #tpu.memory_space<vmem>>, vector<16xf32>,
    %get3A_740 = arith.constant 0 : i32
    %get3A_741 = arith.index_cast %get3A_740 : i32 to index
    %get3A_742 = arith.constant 0 : index
    %get3A_743 = tpu.vector_load %arg24[%get3A_741, %get3A_742] {strides = array<i32>} : memref<3x16xf32, #tpu.memory_space<vmem>>, vector<16xf32>,
    %get3A_744 = arith.constant 1 : i32
    %get3A_745 = arith.index_cast %get3A_744 : i32 to index
    %get3A_746 = arith.constant 0 : index
    %get3A_747 = tpu.vector_load %arg24[%get3A_745, %get3A_746] {strides = array<i32>} : memref<3x16xf32, #tpu.memory_space<vmem>>, vector<16xf32>,
    %slice3A = vector.extract_strided_slice %get3A_743 {offsets = [0], sizes = [1], strides = [1]} : vector<16xf32> to vector<1xf32>
    %squeeze3A = vector.extract %slice3A[0] : f32 from vector<1xf32>
    %slice3A_748 = vector.extract_strided_slice %get3A_743 {offsets = [1], sizes = [1], strides = [1]} : vector<16xf32> to vector<1xf32>
    %squeeze3A_749 = vector.extract %slice3A_748[0] : f32 from vector<1xf32>
    %slice3A_750 = vector.extract_strided_slice %get3A_743 {offsets = [2], sizes = [1], strides = [1]} : vector<16xf32> to vector<1xf32>
    %squeeze3A_751 = vector.extract %slice3A_750[0] : f32 from vector<1xf32>
    %slice3A_752 = vector.extract_strided_slice %get3A_743 {offsets = [3], sizes = [1], strides = [1]} : vector<16xf32> to vector<1xf32>
    %squeeze3A_753 = vector.extract %slice3A_752[0] : f32 from vector<1xf32>
    %slice3A_754 = vector.extract_strided_slice %get3A_743 {offsets = [4], sizes = [1], strides = [1]} : vector<16xf32> to vector<1xf32>
    %squeeze3A_755 = vector.extract %slice3A_754[0] : f32 from vector<1xf32>
    %slice3A_756 = vector.extract_strided_slice %get3A_743 {offsets = [5], sizes = [1], strides = [1]} : vector<16xf32> to vector<1xf32>
    %squeeze3A_757 = vector.extract %slice3A_756[0] : f32 from vector<1xf32>
    %slice3A_758 = vector.extract_strided_slice %get3A_743 {offsets = [6], sizes = [1], strides = [1]} : vector<16xf32> to vector<1xf32>
    %squeeze3A_759 = vector.extract %slice3A_758[0] : f32 from vector<1xf32>
    %slice3A_760 = vector.extract_strided_slice %get3A_743 {offsets = [7], sizes = [1], strides = [1]} : vector<16xf32> to vector<1xf32>
    %squeeze3A_761 = vector.extract %slice3A_760[0] : f32 from vector<1xf32>
    %slice3A_762 = vector.extract_strided_slice %get3A_743 {offsets = [8], sizes = [1], strides = [1]} : vector<16xf32> to vector<1xf32>
    %squeeze3A_763 = vector.extract %slice3A_762[0] : f32 from vector<1xf32>
    %slice3A_764 = vector.extract_strided_slice %get3A_743 {offsets = [9], sizes = [1], strides = [1]} : vector<16xf32> to vector<1xf32>
    %squeeze3A_765 = vector.extract %slice3A_764[0] : f32 from vector<1xf32>
    %slice3A_766 = vector.extract_strided_slice %get3A_743 {offsets = [10], sizes = [1], strides = [1]} : vector<16xf32> to vector<1xf32>
    %squeeze3A_767 = vector.extract %slice3A_766[0] : f32 from vector<1xf32>
    %slice3A_768 = vector.extract_strided_slice %get3A_743 {offsets = [11], sizes = [1], strides = [1]} : vector<16xf32> to vector<1xf32>
    %squeeze3A_769 = vector.extract %slice3A_768[0] : f32 from vector<1xf32>
    %slice3A_770 = vector.extract_strided_slice %get3A_743 {offsets = [12], sizes = [1], strides = [1]} : vector<16xf32> to vector<1xf32>
    %squeeze3A_771 = vector.extract %slice3A_770[0] : f32 from vector<1xf32>
    %slice3A_772 = vector.extract_strided_slice %get3A_743 {offsets = [13], sizes = [1], strides = [1]} : vector<16xf32> to vector<1xf32>
    %squeeze3A_773 = vector.extract %slice3A_772[0] : f32 from vector<1xf32>
    %slice3A_774 = vector.extract_strided_slice %get3A_743 {offsets = [14], sizes = [1], strides = [1]} : vector<16xf32> to vector<1xf32>
    %squeeze3A_775 = vector.extract %slice3A_774[0] : f32 from vector<1xf32>
    %slice3A_776 = vector.extract_strided_slice %get3A_743 {offsets = [15], sizes = [1], strides = [1]} : vector<16xf32> to vector<1xf32>
    %squeeze3A_777 = vector.extract %slice3A_776[0] : f32 from vector<1xf32>
    %slice3A_778 = vector.extract_strided_slice %get3A_747 {offsets = [0], sizes = [1], strides = [1]} : vector<16xf32> to vector<1xf32>
    %squeeze3A_779 = vector.extract %slice3A_778[0] : f32 from vector<1xf32>
    %slice3A_780 = vector.extract_strided_slice %get3A_747 {offsets = [1], sizes = [1], strides = [1]} : vector<16xf32> to vector<1xf32>
    %squeeze3A_781 = vector.extract %slice3A_780[0] : f32 from vector<1xf32>
    %slice3A_782 = vector.extract_strided_slice %get3A_747 {offsets = [2], sizes = [1], strides = [1]} : vector<16xf32> to vector<1xf32>
    %squeeze3A_783 = vector.extract %slice3A_782[0] : f32 from vector<1xf32>
    %slice3A_784 = vector.extract_strided_slice %get3A_747 {offsets = [3], sizes = [1], strides = [1]} : vector<16xf32> to vector<1xf32>
    %squeeze3A_785 = vector.extract %slice3A_784[0] : f32 from vector<1xf32>
    %slice3A_786 = vector.extract_strided_slice %get3A_747 {offsets = [4], sizes = [1], strides = [1]} : vector<16xf32> to vector<1xf32>
    %squeeze3A_787 = vector.extract %slice3A_786[0] : f32 from vector<1xf32>
    %slice3A_788 = vector.extract_strided_slice %get3A_747 {offsets = [5], sizes = [1], strides = [1]} : vector<16xf32> to vector<1xf32>
    %squeeze3A_789 = vector.extract %slice3A_788[0] : f32 from vector<1xf32>
    %slice3A_790 = vector.extract_strided_slice %get3A_747 {offsets = [6], sizes = [1], strides = [1]} : vector<16xf32> to vector<1xf32>
    %squeeze3A_791 = vector.extract %slice3A_790[0] : f32 from vector<1xf32>
    %slice3A_792 = vector.extract_strided_slice %get3A_747 {offsets = [7], sizes = [1], strides = [1]} : vector<16xf32> to vector<1xf32>
    %squeeze3A_793 = vector.extract %slice3A_792[0] : f32 from vector<1xf32>
    %slice3A_794 = vector.extract_strided_slice %get3A_747 {offsets = [8], sizes = [1], strides = [1]} : vector<16xf32> to vector<1xf32>
    %squeeze3A_795 = vector.extract %slice3A_794[0] : f32 from vector<1xf32>
    %slice3A_796 = vector.extract_strided_slice %get3A_747 {offsets = [9], sizes = [1], strides = [1]} : vector<16xf32> to vector<1xf32>
    %squeeze3A_797 = vector.extract %slice3A_796[0] : f32 from vector<1xf32>
    %slice3A_798 = vector.extract_strided_slice %get3A_747 {offsets = [10], sizes = [1], strides = [1]} : vector<16xf32> to vector<1xf32>
    %squeeze3A_799 = vector.extract %slice3A_798[0] : f32 from vector<1xf32>
    %slice3A_800 = vector.extract_strided_slice %get3A_747 {offsets = [11], sizes = [1], strides = [1]} : vector<16xf32> to vector<1xf32>
    %squeeze3A_801 = vector.extract %slice3A_800[0] : f32 from vector<1xf32>
    %slice3A_802 = vector.extract_strided_slice %get3A_747 {offsets = [12], sizes = [1], strides = [1]} : vector<16xf32> to vector<1xf32>
    %squeeze3A_803 = vector.extract %slice3A_802[0] : f32 from vector<1xf32>
    %slice3A_804 = vector.extract_strided_slice %get3A_747 {offsets = [13], sizes = [1], strides = [1]} : vector<16xf32> to vector<1xf32>
    %squeeze3A_805 = vector.extract %slice3A_804[0] : f32 from vector<1xf32>
    %slice3A_806 = vector.extract_strided_slice %get3A_747 {offsets = [14], sizes = [1], strides = [1]} : vector<16xf32> to vector<1xf32>
    %squeeze3A_807 = vector.extract %slice3A_806[0] : f32 from vector<1xf32>
    %slice3A_808 = vector.extract_strided_slice %get3A_747 {offsets = [15], sizes = [1], strides = [1]} : vector<16xf32> to vector<1xf32>
    %squeeze3A_809 = vector.extract %slice3A_808[0] : f32 from vector<1xf32>
    %scan3A = arith.constant 0 : i32
    %scan3A_810 = arith.constant 0 : i32
    %scan3A_811 = arith.constant 32 : i32
    %scan3A_812 = arith.addi %scan3A_810, %scan3A_811 : i32
    %scan3A_813 = arith.constant 1 : i32
    scf.for %scan3A_815 = %scan3A_810 to %scan3A_812 step %scan3A_813  : i32 {
      %mul3A_816 = arith.constant 16 : i32
      %mul3A_817 = arith.muli %scan3A_815, %mul3A_816 : i32
      %add3A_818 = vector.broadcast %mul3A_817 : i32 to vector<16xi32>
      %add3A_819 = arith.addi %iota3A, %add3A_818 : vector<16xi32>
      %mul3A_820 = arith.constant 16 : i32
      %mul3A_821 = arith.muli %scan3A_815, %mul3A_820 : i32
      %get3A_822 = arith.index_cast %mul3A_821 : i32 to index
      %get3A_823 = tpu.vector_load %arg20[%get3A_822] {strides = array<i32>} : memref<512xf32, #tpu.memory_space<vmem>>, vector<16xf32>,
      %add3A_824 = arith.addf %get3A_739, %get3A_823 : vector<16xf32>
      %get3A_825 = arith.index_cast %mul3A_821 : i32 to index
      %get3A_826 = tpu.vector_load %arg22[%get3A_825] {strides = array<i32>} : memref<512xf32, #tpu.memory_space<vmem>>, vector<16xf32>,
      %add3A_827 = arith.addf %add3A_824, %get3A_826 : vector<16xf32>
      %get3A_828 = arith.index_cast %mul3A_821 : i32 to index
      %get3A_829 = tpu.vector_load %arg21[%get3A_828] {strides = array<i32>} : memref<512xf32, #tpu.memory_space<vmem>>, vector<16xf32>,
      %add3A_830 = arith.addf %add3A_827, %get3A_829 : vector<16xf32>
      %get3A_831 = arith.index_cast %mul3A_821 : i32 to index
      %get3A_832 = tpu.vector_load %arg23[%get3A_831] {strides = array<i32>} : memref<512xf32, #tpu.memory_space<vmem>>, vector<16xf32>,
      %add3A_833 = arith.addf %add3A_830, %get3A_832 : vector<16xf32>
      %broadcast_in_dim3A = arith.constant 0 : i32
      %broadcast_in_dim3A_834 = vector.broadcast %broadcast_in_dim3A : i32 to vector<16xi32>
      %gather3A = tpu.vector_load_idx %arg16[%add3A_819, %broadcast_in_dim3A_834] : memref<512x16xf32, #tpu.memory_space<vmem>>[vector<16xi32>, vector<16xi32>], vector<16xf32>,
      %gather3A_835 = tpu.vector_load_idx %arg17[%add3A_819, %broadcast_in_dim3A_834] : memref<512x16xf32, #tpu.memory_space<vmem>>[vector<16xi32>, vector<16xi32>], vector<16xf32>,
      %gather3A_836 = tpu.vector_load_idx %arg18[%add3A_819, %broadcast_in_dim3A_834] : memref<512x16xf32, #tpu.memory_space<vmem>>[vector<16xi32>, vector<16xi32>], vector<16xf32>,
      %gather3A_837 = tpu.vector_load_idx %arg19[%add3A_819, %broadcast_in_dim3A_834] : memref<512x16xf32, #tpu.memory_space<vmem>>[vector<16xi32>, vector<16xi32>], vector<16xf32>,
      %mul3A_838 = arith.mulf %gather3A, %gather3A_835 : vector<16xf32>
      %mul3A_839 = vector.broadcast %squeeze3A : f32 to vector<16xf32>
      %mul3A_840 = arith.mulf %mul3A_838, %mul3A_839 : vector<16xf32>
      %add3A_841 = arith.addf %add3A_833, %mul3A_840 : vector<16xf32>
      %mul3A_842 = arith.mulf %gather3A_836, %gather3A_837 : vector<16xf32>
      %mul3A_843 = vector.broadcast %squeeze3A_779 : f32 to vector<16xf32>
      %mul3A_844 = arith.mulf %mul3A_842, %mul3A_843 : vector<16xf32>
      %add3A_845 = arith.addf %add3A_841, %mul3A_844 : vector<16xf32>
      %broadcast_in_dim3A_846 = arith.constant 1 : i32
      %broadcast_in_dim3A_847 = vector.broadcast %broadcast_in_dim3A_846 : i32 to vector<16xi32>
      %gather3A_848 = tpu.vector_load_idx %arg16[%add3A_819, %broadcast_in_dim3A_847] : memref<512x16xf32, #tpu.memory_space<vmem>>[vector<16xi32>, vector<16xi32>], vector<16xf32>,
      %gather3A_849 = tpu.vector_load_idx %arg17[%add3A_819, %broadcast_in_dim3A_847] : memref<512x16xf32, #tpu.memory_space<vmem>>[vector<16xi32>, vector<16xi32>], vector<16xf32>,
      %gather3A_850 = tpu.vector_load_idx %arg18[%add3A_819, %broadcast_in_dim3A_847] : memref<512x16xf32, #tpu.memory_space<vmem>>[vector<16xi32>, vector<16xi32>], vector<16xf32>,
      %gather3A_851 = tpu.vector_load_idx %arg19[%add3A_819, %broadcast_in_dim3A_847] : memref<512x16xf32, #tpu.memory_space<vmem>>[vector<16xi32>, vector<16xi32>], vector<16xf32>,
      %mul3A_852 = arith.mulf %gather3A_848, %gather3A_849 : vector<16xf32>
      %mul3A_853 = vector.broadcast %squeeze3A_749 : f32 to vector<16xf32>
      %mul3A_854 = arith.mulf %mul3A_852, %mul3A_853 : vector<16xf32>
      %add3A_855 = arith.addf %add3A_845, %mul3A_854 : vector<16xf32>
      %mul3A_856 = arith.mulf %gather3A_850, %gather3A_851 : vector<16xf32>
      %mul3A_857 = vector.broadcast %squeeze3A_781 : f32 to vector<16xf32>
      %mul3A_858 = arith.mulf %mul3A_856, %mul3A_857 : vector<16xf32>
      %add3A_859 = arith.addf %add3A_855, %mul3A_858 : vector<16xf32>
      %broadcast_in_dim3A_860 = arith.constant 2 : i32
      %broadcast_in_dim3A_861 = vector.broadcast %broadcast_in_dim3A_860 : i32 to vector<16xi32>
      %gather3A_862 = tpu.vector_load_idx %arg16[%add3A_819, %broadcast_in_dim3A_861] : memref<512x16xf32, #tpu.memory_space<vmem>>[vector<16xi32>, vector<16xi32>], vector<16xf32>,
      %gather3A_863 = tpu.vector_load_idx %arg17[%add3A_819, %broadcast_in_dim3A_861] : memref<512x16xf32, #tpu.memory_space<vmem>>[vector<16xi32>, vector<16xi32>], vector<16xf32>,
      %gather3A_864 = tpu.vector_load_idx %arg18[%add3A_819, %broadcast_in_dim3A_861] : memref<512x16xf32, #tpu.memory_space<vmem>>[vector<16xi32>, vector<16xi32>], vector<16xf32>,
      %gather3A_865 = tpu.vector_load_idx %arg19[%add3A_819, %broadcast_in_dim3A_861] : memref<512x16xf32, #tpu.memory_space<vmem>>[vector<16xi32>, vector<16xi32>], vector<16xf32>,
      %mul3A_866 = arith.mulf %gather3A_862, %gather3A_863 : vector<16xf32>
      %mul3A_867 = vector.broadcast %squeeze3A_751 : f32 to vector<16xf32>
      %mul3A_868 = arith.mulf %mul3A_866, %mul3A_867 : vector<16xf32>
      %add3A_869 = arith.addf %add3A_859, %mul3A_868 : vector<16xf32>
      %mul3A_870 = arith.mulf %gather3A_864, %gather3A_865 : vector<16xf32>
      %mul3A_871 = vector.broadcast %squeeze3A_783 : f32 to vector<16xf32>
      %mul3A_872 = arith.mulf %mul3A_870, %mul3A_871 : vector<16xf32>
      %add3A_873 = arith.addf %add3A_869, %mul3A_872 : vector<16xf32>
      %broadcast_in_dim3A_874 = arith.constant 3 : i32
      %broadcast_in_dim3A_875 = vector.broadcast %broadcast_in_dim3A_874 : i32 to vector<16xi32>
      %gather3A_876 = tpu.vector_load_idx %arg16[%add3A_819, %broadcast_in_dim3A_875] : memref<512x16xf32, #tpu.memory_space<vmem>>[vector<16xi32>, vector<16xi32>], vector<16xf32>,
      %gather3A_877 = tpu.vector_load_idx %arg17[%add3A_819, %broadcast_in_dim3A_875] : memref<512x16xf32, #tpu.memory_space<vmem>>[vector<16xi32>, vector<16xi32>], vector<16xf32>,
      %gather3A_878 = tpu.vector_load_idx %arg18[%add3A_819, %broadcast_in_dim3A_875] : memref<512x16xf32, #tpu.memory_space<vmem>>[vector<16xi32>, vector<16xi32>], vector<16xf32>,
      %gather3A_879 = tpu.vector_load_idx %arg19[%add3A_819, %broadcast_in_dim3A_875] : memref<512x16xf32, #tpu.memory_space<vmem>>[vector<16xi32>, vector<16xi32>], vector<16xf32>,
      %mul3A_880 = arith.mulf %gather3A_876, %gather3A_877 : vector<16xf32>
      %mul3A_881 = vector.broadcast %squeeze3A_753 : f32 to vector<16xf32>
      %mul3A_882 = arith.mulf %mul3A_880, %mul3A_881 : vector<16xf32>
      %add3A_883 = arith.addf %add3A_873, %mul3A_882 : vector<16xf32>
      %mul3A_884 = arith.mulf %gather3A_878, %gather3A_879 : vector<16xf32>
      %mul3A_885 = vector.broadcast %squeeze3A_785 : f32 to vector<16xf32>
      %mul3A_886 = arith.mulf %mul3A_884, %mul3A_885 : vector<16xf32>
      %add3A_887 = arith.addf %add3A_883, %mul3A_886 : vector<16xf32>
      %broadcast_in_dim3A_888 = arith.constant 4 : i32
      %broadcast_in_dim3A_889 = vector.broadcast %broadcast_in_dim3A_888 : i32 to vector<16xi32>
      %gather3A_890 = tpu.vector_load_idx %arg16[%add3A_819, %broadcast_in_dim3A_889] : memref<512x16xf32, #tpu.memory_space<vmem>>[vector<16xi32>, vector<16xi32>], vector<16xf32>,
      %gather3A_891 = tpu.vector_load_idx %arg17[%add3A_819, %broadcast_in_dim3A_889] : memref<512x16xf32, #tpu.memory_space<vmem>>[vector<16xi32>, vector<16xi32>], vector<16xf32>,
      %gather3A_892 = tpu.vector_load_idx %arg18[%add3A_819, %broadcast_in_dim3A_889] : memref<512x16xf32, #tpu.memory_space<vmem>>[vector<16xi32>, vector<16xi32>], vector<16xf32>,
      %gather3A_893 = tpu.vector_load_idx %arg19[%add3A_819, %broadcast_in_dim3A_889] : memref<512x16xf32, #tpu.memory_space<vmem>>[vector<16xi32>, vector<16xi32>], vector<16xf32>,
      %mul3A_894 = arith.mulf %gather3A_890, %gather3A_891 : vector<16xf32>
      %mul3A_895 = vector.broadcast %squeeze3A_755 : f32 to vector<16xf32>
      %mul3A_896 = arith.mulf %mul3A_894, %mul3A_895 : vector<16xf32>
      %add3A_897 = arith.addf %add3A_887, %mul3A_896 : vector<16xf32>
      %mul3A_898 = arith.mulf %gather3A_892, %gather3A_893 : vector<16xf32>
      %mul3A_899 = vector.broadcast %squeeze3A_787 : f32 to vector<16xf32>
      %mul3A_900 = arith.mulf %mul3A_898, %mul3A_899 : vector<16xf32>
      %add3A_901 = arith.addf %add3A_897, %mul3A_900 : vector<16xf32>
      %broadcast_in_dim3A_902 = arith.constant 5 : i32
      %broadcast_in_dim3A_903 = vector.broadcast %broadcast_in_dim3A_902 : i32 to vector<16xi32>
      %gather3A_904 = tpu.vector_load_idx %arg16[%add3A_819, %broadcast_in_dim3A_903] : memref<512x16xf32, #tpu.memory_space<vmem>>[vector<16xi32>, vector<16xi32>], vector<16xf32>,
      %gather3A_905 = tpu.vector_load_idx %arg17[%add3A_819, %broadcast_in_dim3A_903] : memref<512x16xf32, #tpu.memory_space<vmem>>[vector<16xi32>, vector<16xi32>], vector<16xf32>,
      %gather3A_906 = tpu.vector_load_idx %arg18[%add3A_819, %broadcast_in_dim3A_903] : memref<512x16xf32, #tpu.memory_space<vmem>>[vector<16xi32>, vector<16xi32>], vector<16xf32>,
      %gather3A_907 = tpu.vector_load_idx %arg19[%add3A_819, %broadcast_in_dim3A_903] : memref<512x16xf32, #tpu.memory_space<vmem>>[vector<16xi32>, vector<16xi32>], vector<16xf32>,
      %mul3A_908 = arith.mulf %gather3A_904, %gather3A_905 : vector<16xf32>
      %mul3A_909 = vector.broadcast %squeeze3A_757 : f32 to vector<16xf32>
      %mul3A_910 = arith.mulf %mul3A_908, %mul3A_909 : vector<16xf32>
      %add3A_911 = arith.addf %add3A_901, %mul3A_910 : vector<16xf32>
      %mul3A_912 = arith.mulf %gather3A_906, %gather3A_907 : vector<16xf32>
      %mul3A_913 = vector.broadcast %squeeze3A_789 : f32 to vector<16xf32>
      %mul3A_914 = arith.mulf %mul3A_912, %mul3A_913 : vector<16xf32>
      %add3A_915 = arith.addf %add3A_911, %mul3A_914 : vector<16xf32>
      %broadcast_in_dim3A_916 = arith.constant 6 : i32
      %broadcast_in_dim3A_917 = vector.broadcast %broadcast_in_dim3A_916 : i32 to vector<16xi32>
      %gather3A_918 = tpu.vector_load_idx %arg16[%add3A_819, %broadcast_in_dim3A_917] : memref<512x16xf32, #tpu.memory_space<vmem>>[vector<16xi32>, vector<16xi32>], vector<16xf32>,
      %gather3A_919 = tpu.vector_load_idx %arg17[%add3A_819, %broadcast_in_dim3A_917] : memref<512x16xf32, #tpu.memory_space<vmem>>[vector<16xi32>, vector<16xi32>], vector<16xf32>,
      %gather3A_920 = tpu.vector_load_idx %arg18[%add3A_819, %broadcast_in_dim3A_917] : memref<512x16xf32, #tpu.memory_space<vmem>>[vector<16xi32>, vector<16xi32>], vector<16xf32>,
      %gather3A_921 = tpu.vector_load_idx %arg19[%add3A_819, %broadcast_in_dim3A_917] : memref<512x16xf32, #tpu.memory_space<vmem>>[vector<16xi32>, vector<16xi32>], vector<16xf32>,
      %mul3A_922 = arith.mulf %gather3A_918, %gather3A_919 : vector<16xf32>
      %mul3A_923 = vector.broadcast %squeeze3A_759 : f32 to vector<16xf32>
      %mul3A_924 = arith.mulf %mul3A_922, %mul3A_923 : vector<16xf32>
      %add3A_925 = arith.addf %add3A_915, %mul3A_924 : vector<16xf32>
      %mul3A_926 = arith.mulf %gather3A_920, %gather3A_921 : vector<16xf32>
      %mul3A_927 = vector.broadcast %squeeze3A_791 : f32 to vector<16xf32>
      %mul3A_928 = arith.mulf %mul3A_926, %mul3A_927 : vector<16xf32>
      %add3A_929 = arith.addf %add3A_925, %mul3A_928 : vector<16xf32>
      %broadcast_in_dim3A_930 = arith.constant 7 : i32
      %broadcast_in_dim3A_931 = vector.broadcast %broadcast_in_dim3A_930 : i32 to vector<16xi32>
      %gather3A_932 = tpu.vector_load_idx %arg16[%add3A_819, %broadcast_in_dim3A_931] : memref<512x16xf32, #tpu.memory_space<vmem>>[vector<16xi32>, vector<16xi32>], vector<16xf32>,
      %gather3A_933 = tpu.vector_load_idx %arg17[%add3A_819, %broadcast_in_dim3A_931] : memref<512x16xf32, #tpu.memory_space<vmem>>[vector<16xi32>, vector<16xi32>], vector<16xf32>,
      %gather3A_934 = tpu.vector_load_idx %arg18[%add3A_819, %broadcast_in_dim3A_931] : memref<512x16xf32, #tpu.memory_space<vmem>>[vector<16xi32>, vector<16xi32>], vector<16xf32>,
      %gather3A_935 = tpu.vector_load_idx %arg19[%add3A_819, %broadcast_in_dim3A_931] : memref<512x16xf32, #tpu.memory_space<vmem>>[vector<16xi32>, vector<16xi32>], vector<16xf32>,
      %mul3A_936 = arith.mulf %gather3A_932, %gather3A_933 : vector<16xf32>
      %mul3A_937 = vector.broadcast %squeeze3A_761 : f32 to vector<16xf32>
      %mul3A_938 = arith.mulf %mul3A_936, %mul3A_937 : vector<16xf32>
      %add3A_939 = arith.addf %add3A_929, %mul3A_938 : vector<16xf32>
      %mul3A_940 = arith.mulf %gather3A_934, %gather3A_935 : vector<16xf32>
      %mul3A_941 = vector.broadcast %squeeze3A_793 : f32 to vector<16xf32>
      %mul3A_942 = arith.mulf %mul3A_940, %mul3A_941 : vector<16xf32>
      %add3A_943 = arith.addf %add3A_939, %mul3A_942 : vector<16xf32>
      %broadcast_in_dim3A_944 = arith.constant 8 : i32
      %broadcast_in_dim3A_945 = vector.broadcast %broadcast_in_dim3A_944 : i32 to vector<16xi32>
      %gather3A_946 = tpu.vector_load_idx %arg16[%add3A_819, %broadcast_in_dim3A_945] : memref<512x16xf32, #tpu.memory_space<vmem>>[vector<16xi32>, vector<16xi32>], vector<16xf32>,
      %gather3A_947 = tpu.vector_load_idx %arg17[%add3A_819, %broadcast_in_dim3A_945] : memref<512x16xf32, #tpu.memory_space<vmem>>[vector<16xi32>, vector<16xi32>], vector<16xf32>,
      %gather3A_948 = tpu.vector_load_idx %arg18[%add3A_819, %broadcast_in_dim3A_945] : memref<512x16xf32, #tpu.memory_space<vmem>>[vector<16xi32>, vector<16xi32>], vector<16xf32>,
      %gather3A_949 = tpu.vector_load_idx %arg19[%add3A_819, %broadcast_in_dim3A_945] : memref<512x16xf32, #tpu.memory_space<vmem>>[vector<16xi32>, vector<16xi32>], vector<16xf32>,
      %mul3A_950 = arith.mulf %gather3A_946, %gather3A_947 : vector<16xf32>
      %mul3A_951 = vector.broadcast %squeeze3A_763 : f32 to vector<16xf32>
      %mul3A_952 = arith.mulf %mul3A_950, %mul3A_951 : vector<16xf32>
      %add3A_953 = arith.addf %add3A_943, %mul3A_952 : vector<16xf32>
      %mul3A_954 = arith.mulf %gather3A_948, %gather3A_949 : vector<16xf32>
      %mul3A_955 = vector.broadcast %squeeze3A_795 : f32 to vector<16xf32>
      %mul3A_956 = arith.mulf %mul3A_954, %mul3A_955 : vector<16xf32>
      %add3A_957 = arith.addf %add3A_953, %mul3A_956 : vector<16xf32>
      %broadcast_in_dim3A_958 = arith.constant 9 : i32
      %broadcast_in_dim3A_959 = vector.broadcast %broadcast_in_dim3A_958 : i32 to vector<16xi32>
      %gather3A_960 = tpu.vector_load_idx %arg16[%add3A_819, %broadcast_in_dim3A_959] : memref<512x16xf32, #tpu.memory_space<vmem>>[vector<16xi32>, vector<16xi32>], vector<16xf32>,
      %gather3A_961 = tpu.vector_load_idx %arg17[%add3A_819, %broadcast_in_dim3A_959] : memref<512x16xf32, #tpu.memory_space<vmem>>[vector<16xi32>, vector<16xi32>], vector<16xf32>,
      %gather3A_962 = tpu.vector_load_idx %arg18[%add3A_819, %broadcast_in_dim3A_959] : memref<512x16xf32, #tpu.memory_space<vmem>>[vector<16xi32>, vector<16xi32>], vector<16xf32>,
      %gather3A_963 = tpu.vector_load_idx %arg19[%add3A_819, %broadcast_in_dim3A_959] : memref<512x16xf32, #tpu.memory_space<vmem>>[vector<16xi32>, vector<16xi32>], vector<16xf32>,
      %mul3A_964 = arith.mulf %gather3A_960, %gather3A_961 : vector<16xf32>
      %mul3A_965 = vector.broadcast %squeeze3A_765 : f32 to vector<16xf32>
      %mul3A_966 = arith.mulf %mul3A_964, %mul3A_965 : vector<16xf32>
      %add3A_967 = arith.addf %add3A_957, %mul3A_966 : vector<16xf32>
      %mul3A_968 = arith.mulf %gather3A_962, %gather3A_963 : vector<16xf32>
      %mul3A_969 = vector.broadcast %squeeze3A_797 : f32 to vector<16xf32>
      %mul3A_970 = arith.mulf %mul3A_968, %mul3A_969 : vector<16xf32>
      %add3A_971 = arith.addf %add3A_967, %mul3A_970 : vector<16xf32>
      %broadcast_in_dim3A_972 = arith.constant 10 : i32
      %broadcast_in_dim3A_973 = vector.broadcast %broadcast_in_dim3A_972 : i32 to vector<16xi32>
      %gather3A_974 = tpu.vector_load_idx %arg16[%add3A_819, %broadcast_in_dim3A_973] : memref<512x16xf32, #tpu.memory_space<vmem>>[vector<16xi32>, vector<16xi32>], vector<16xf32>,
      %gather3A_975 = tpu.vector_load_idx %arg17[%add3A_819, %broadcast_in_dim3A_973] : memref<512x16xf32, #tpu.memory_space<vmem>>[vector<16xi32>, vector<16xi32>], vector<16xf32>,
      %gather3A_976 = tpu.vector_load_idx %arg18[%add3A_819, %broadcast_in_dim3A_973] : memref<512x16xf32, #tpu.memory_space<vmem>>[vector<16xi32>, vector<16xi32>], vector<16xf32>,
      %gather3A_977 = tpu.vector_load_idx %arg19[%add3A_819, %broadcast_in_dim3A_973] : memref<512x16xf32, #tpu.memory_space<vmem>>[vector<16xi32>, vector<16xi32>], vector<16xf32>,
      %mul3A_978 = arith.mulf %gather3A_974, %gather3A_975 : vector<16xf32>
      %mul3A_979 = vector.broadcast %squeeze3A_767 : f32 to vector<16xf32>
      %mul3A_980 = arith.mulf %mul3A_978, %mul3A_979 : vector<16xf32>
      %add3A_981 = arith.addf %add3A_971, %mul3A_980 : vector<16xf32>
      %mul3A_982 = arith.mulf %gather3A_976, %gather3A_977 : vector<16xf32>
      %mul3A_983 = vector.broadcast %squeeze3A_799 : f32 to vector<16xf32>
      %mul3A_984 = arith.mulf %mul3A_982, %mul3A_983 : vector<16xf32>
      %add3A_985 = arith.addf %add3A_981, %mul3A_984 : vector<16xf32>
      %broadcast_in_dim3A_986 = arith.constant 11 : i32
      %broadcast_in_dim3A_987 = vector.broadcast %broadcast_in_dim3A_986 : i32 to vector<16xi32>
      %gather3A_988 = tpu.vector_load_idx %arg16[%add3A_819, %broadcast_in_dim3A_987] : memref<512x16xf32, #tpu.memory_space<vmem>>[vector<16xi32>, vector<16xi32>], vector<16xf32>,
      %gather3A_989 = tpu.vector_load_idx %arg17[%add3A_819, %broadcast_in_dim3A_987] : memref<512x16xf32, #tpu.memory_space<vmem>>[vector<16xi32>, vector<16xi32>], vector<16xf32>,
      %gather3A_990 = tpu.vector_load_idx %arg18[%add3A_819, %broadcast_in_dim3A_987] : memref<512x16xf32, #tpu.memory_space<vmem>>[vector<16xi32>, vector<16xi32>], vector<16xf32>,
      %gather3A_991 = tpu.vector_load_idx %arg19[%add3A_819, %broadcast_in_dim3A_987] : memref<512x16xf32, #tpu.memory_space<vmem>>[vector<16xi32>, vector<16xi32>], vector<16xf32>,
      %mul3A_992 = arith.mulf %gather3A_988, %gather3A_989 : vector<16xf32>
      %mul3A_993 = vector.broadcast %squeeze3A_769 : f32 to vector<16xf32>
      %mul3A_994 = arith.mulf %mul3A_992, %mul3A_993 : vector<16xf32>
      %add3A_995 = arith.addf %add3A_985, %mul3A_994 : vector<16xf32>
      %mul3A_996 = arith.mulf %gather3A_990, %gather3A_991 : vector<16xf32>
      %mul3A_997 = vector.broadcast %squeeze3A_801 : f32 to vector<16xf32>
      %mul3A_998 = arith.mulf %mul3A_996, %mul3A_997 : vector<16xf32>
      %add3A_999 = arith.addf %add3A_995, %mul3A_998 : vector<16xf32>
      %broadcast_in_dim3A_1000 = arith.constant 12 : i32
      %broadcast_in_dim3A_1001 = vector.broadcast %broadcast_in_dim3A_1000 : i32 to vector<16xi32>
      %gather3A_1002 = tpu.vector_load_idx %arg16[%add3A_819, %broadcast_in_dim3A_1001] : memref<512x16xf32, #tpu.memory_space<vmem>>[vector<16xi32>, vector<16xi32>], vector<16xf32>,
      %gather3A_1003 = tpu.vector_load_idx %arg17[%add3A_819, %broadcast_in_dim3A_1001] : memref<512x16xf32, #tpu.memory_space<vmem>>[vector<16xi32>, vector<16xi32>], vector<16xf32>,
      %gather3A_1004 = tpu.vector_load_idx %arg18[%add3A_819, %broadcast_in_dim3A_1001] : memref<512x16xf32, #tpu.memory_space<vmem>>[vector<16xi32>, vector<16xi32>], vector<16xf32>,
      %gather3A_1005 = tpu.vector_load_idx %arg19[%add3A_819, %broadcast_in_dim3A_1001] : memref<512x16xf32, #tpu.memory_space<vmem>>[vector<16xi32>, vector<16xi32>], vector<16xf32>,
      %mul3A_1006 = arith.mulf %gather3A_1002, %gather3A_1003 : vector<16xf32>
      %mul3A_1007 = vector.broadcast %squeeze3A_771 : f32 to vector<16xf32>
      %mul3A_1008 = arith.mulf %mul3A_1006, %mul3A_1007 : vector<16xf32>
      %add3A_1009 = arith.addf %add3A_999, %mul3A_1008 : vector<16xf32>
      %mul3A_1010 = arith.mulf %gather3A_1004, %gather3A_1005 : vector<16xf32>
      %mul3A_1011 = vector.broadcast %squeeze3A_803 : f32 to vector<16xf32>
      %mul3A_1012 = arith.mulf %mul3A_1010, %mul3A_1011 : vector<16xf32>
      %add3A_1013 = arith.addf %add3A_1009, %mul3A_1012 : vector<16xf32>
      %broadcast_in_dim3A_1014 = arith.constant 13 : i32
      %broadcast_in_dim3A_1015 = vector.broadcast %broadcast_in_dim3A_1014 : i32 to vector<16xi32>
      %gather3A_1016 = tpu.vector_load_idx %arg16[%add3A_819, %broadcast_in_dim3A_1015] : memref<512x16xf32, #tpu.memory_space<vmem>>[vector<16xi32>, vector<16xi32>], vector<16xf32>,
      %gather3A_1017 = tpu.vector_load_idx %arg17[%add3A_819, %broadcast_in_dim3A_1015] : memref<512x16xf32, #tpu.memory_space<vmem>>[vector<16xi32>, vector<16xi32>], vector<16xf32>,
      %gather3A_1018 = tpu.vector_load_idx %arg18[%add3A_819, %broadcast_in_dim3A_1015] : memref<512x16xf32, #tpu.memory_space<vmem>>[vector<16xi32>, vector<16xi32>], vector<16xf32>,
      %gather3A_1019 = tpu.vector_load_idx %arg19[%add3A_819, %broadcast_in_dim3A_1015] : memref<512x16xf32, #tpu.memory_space<vmem>>[vector<16xi32>, vector<16xi32>], vector<16xf32>,
      %mul3A_1020 = arith.mulf %gather3A_1016, %gather3A_1017 : vector<16xf32>
      %mul3A_1021 = vector.broadcast %squeeze3A_773 : f32 to vector<16xf32>
      %mul3A_1022 = arith.mulf %mul3A_1020, %mul3A_1021 : vector<16xf32>
      %add3A_1023 = arith.addf %add3A_1013, %mul3A_1022 : vector<16xf32>
      %mul3A_1024 = arith.mulf %gather3A_1018, %gather3A_1019 : vector<16xf32>
      %mul3A_1025 = vector.broadcast %squeeze3A_805 : f32 to vector<16xf32>
      %mul3A_1026 = arith.mulf %mul3A_1024, %mul3A_1025 : vector<16xf32>
      %add3A_1027 = arith.addf %add3A_1023, %mul3A_1026 : vector<16xf32>
      %broadcast_in_dim3A_1028 = arith.constant 14 : i32
      %broadcast_in_dim3A_1029 = vector.broadcast %broadcast_in_dim3A_1028 : i32 to vector<16xi32>
      %gather3A_1030 = tpu.vector_load_idx %arg16[%add3A_819, %broadcast_in_dim3A_1029] : memref<512x16xf32, #tpu.memory_space<vmem>>[vector<16xi32>, vector<16xi32>], vector<16xf32>,
      %gather3A_1031 = tpu.vector_load_idx %arg17[%add3A_819, %broadcast_in_dim3A_1029] : memref<512x16xf32, #tpu.memory_space<vmem>>[vector<16xi32>, vector<16xi32>], vector<16xf32>,
      %gather3A_1032 = tpu.vector_load_idx %arg18[%add3A_819, %broadcast_in_dim3A_1029] : memref<512x16xf32, #tpu.memory_space<vmem>>[vector<16xi32>, vector<16xi32>], vector<16xf32>,
      %gather3A_1033 = tpu.vector_load_idx %arg19[%add3A_819, %broadcast_in_dim3A_1029] : memref<512x16xf32, #tpu.memory_space<vmem>>[vector<16xi32>, vector<16xi32>], vector<16xf32>,
      %mul3A_1034 = arith.mulf %gather3A_1030, %gather3A_1031 : vector<16xf32>
      %mul3A_1035 = vector.broadcast %squeeze3A_775 : f32 to vector<16xf32>
      %mul3A_1036 = arith.mulf %mul3A_1034, %mul3A_1035 : vector<16xf32>
      %add3A_1037 = arith.addf %add3A_1027, %mul3A_1036 : vector<16xf32>
      %mul3A_1038 = arith.mulf %gather3A_1032, %gather3A_1033 : vector<16xf32>
      %mul3A_1039 = vector.broadcast %squeeze3A_807 : f32 to vector<16xf32>
      %mul3A_1040 = arith.mulf %mul3A_1038, %mul3A_1039 : vector<16xf32>
      %add3A_1041 = arith.addf %add3A_1037, %mul3A_1040 : vector<16xf32>
      %broadcast_in_dim3A_1042 = arith.constant 15 : i32
      %broadcast_in_dim3A_1043 = vector.broadcast %broadcast_in_dim3A_1042 : i32 to vector<16xi32>
      %gather3A_1044 = tpu.vector_load_idx %arg16[%add3A_819, %broadcast_in_dim3A_1043] : memref<512x16xf32, #tpu.memory_space<vmem>>[vector<16xi32>, vector<16xi32>], vector<16xf32>,
      %gather3A_1045 = tpu.vector_load_idx %arg17[%add3A_819, %broadcast_in_dim3A_1043] : memref<512x16xf32, #tpu.memory_space<vmem>>[vector<16xi32>, vector<16xi32>], vector<16xf32>,
      %gather3A_1046 = tpu.vector_load_idx %arg18[%add3A_819, %broadcast_in_dim3A_1043] : memref<512x16xf32, #tpu.memory_space<vmem>>[vector<16xi32>, vector<16xi32>], vector<16xf32>,
      %gather3A_1047 = tpu.vector_load_idx %arg19[%add3A_819, %broadcast_in_dim3A_1043] : memref<512x16xf32, #tpu.memory_space<vmem>>[vector<16xi32>, vector<16xi32>], vector<16xf32>,
      %mul3A_1048 = arith.mulf %gather3A_1044, %gather3A_1045 : vector<16xf32>
      %mul3A_1049 = vector.broadcast %squeeze3A_777 : f32 to vector<16xf32>
      %mul3A_1050 = arith.mulf %mul3A_1048, %mul3A_1049 : vector<16xf32>
      %add3A_1051 = arith.addf %add3A_1041, %mul3A_1050 : vector<16xf32>
      %mul3A_1052 = arith.mulf %gather3A_1046, %gather3A_1047 : vector<16xf32>
      %mul3A_1053 = vector.broadcast %squeeze3A_809 : f32 to vector<16xf32>
      %mul3A_1054 = arith.mulf %mul3A_1052, %mul3A_1053 : vector<16xf32>
      %add3A_1055 = arith.addf %add3A_1051, %mul3A_1054 : vector<16xf32>
      %swap3A = arith.index_cast %mul3A_821 : i32 to index
      %swap3A_1056 = tpu.vector_load %arg25[%swap3A] {strides = array<i32>} : memref<512xf32, #tpu.memory_space<vmem>>, vector<16xf32>,
      tpu.vector_store %arg25[%swap3A], %add3A_1055 {strides = array<i32>} : memref<512xf32, #tpu.memory_space<vmem>>, vector<16xf32>,
    }
    %scan3A_814 = arith.constant 32 : i32
    "tpu.region"() ({
      %run_scoped3A = tpu.sem_alloc : memref<!tpu.dma_semaphore, #tpu.memory_space<semaphore_mem>>
      %dma_start3A_815 = tpu.memref_slice %arg13[%mul3A_2] : memref<16384xf32, #tpu.memory_space<hbm>> -> memref<512xf32, #tpu.memory_space<hbm>>
      %dma_start3A_816 = tpu.memref_slice %arg13[%mul3A_2] : memref<16384xf32, #tpu.memory_space<hbm>> -> memref<512xf32, #tpu.memory_space<hbm>>
      tpu.enqueue_dma source(%arg25 : memref<512xf32, #tpu.memory_space<vmem>>) target(%dma_start3A_816 : memref<512xf32, #tpu.memory_space<hbm>>) target_semaphore(%run_scoped3A : memref<!tpu.dma_semaphore, #tpu.memory_space<semaphore_mem>>)
      %dma_wait3A_817 = tpu.memref_slice %arg13[%mul3A_2] : memref<16384xf32, #tpu.memory_space<hbm>> -> memref<512xf32, #tpu.memory_space<hbm>>
      %dma_wait3A_818 = tpu.memref_slice %arg13[%mul3A_2] : memref<16384xf32, #tpu.memory_space<hbm>> -> memref<512xf32, #tpu.memory_space<hbm>>
      tpu.wait_dma2 semaphore(%run_scoped3A : memref<!tpu.dma_semaphore, #tpu.memory_space<semaphore_mem>>) src(%arg25 : memref<512xf32, #tpu.memory_space<vmem>>) dst(%dma_wait3A_818 : memref<512xf32, #tpu.memory_space<hbm>>)
      tpu.yield
    }) : () -> ()
    return
  }
}

</mosaic_0001>

<sc_bundles>
// kernel: kernel.3.cloned.1.call-start
scs
__scs_entry_jumppad:
0x0: {  	(pc) =	sbr.rel $0x88, $3  }
0x1: {  	(tag) =	ssettag $0x0;
	lr =	simm.s32 $0x1  }
0x2: {  	[smem:$0x3F91] =	sst lr;
	_ =	strace $0xD0000000  }
0x3: {  	_ = 	snop  }
0x4: {  	_ = 	snop  }
0x5: {  	_ = 	snop  }
0x6: {  	_ = 	snop  }
0x7: {  	_ = 	snop  }
__scs_overlays_trampoline_lowered:
0x8: {  	[smem:$0x3FA0] =	sst s0  }
0x9: {  	[smem:$0x3FA1] =	sst s1  }
0xa: {  	[smem:$0x3FA2] =	sst s2  }
0xb: {  	[smem:$0x3FA3] =	sst s3  }
0xc: {  	[smem:$0x3FA4] =	sst s4  }
0xd: {  	[smem:$0x3FA5] =	sst s5  }
0xe: {  	[smem:$0x3FA6] =	sst s6  }
0xf: {  	[smem:$0x3FA7] =	sst s7  }
0x10: {  	[smem:$0x3FA8] =	sst s8  }
0x11: {  	[smem:$0x3FA9] =	sst s9;
	s0 =	simm.s32 @!p0 $0x0  }
0x12: {  	s1 =	sld [smem:$0x3F8F];
	s0 =	simm.s32 @p0 $0x1  }
0x13: {  	[smem:$0x3FAA] =	sst s0;
	s0 =	simm.s32 @!p1 $0x0  }
0x14: {  	s2 =	sld [smem:$0x3F8E];
	s0 =	simm.s32 @p1 $0x1  }
0x15: {  	[smem:$0x3FAB] =	sst s0;
	s0 =	simm.s32 @!p2 $0x0  }
0x16: {  	s3 =	sld [smem:$0x3FDB];
	s0 =	simm.s32 @p2 $0x1  }
0x17: {  	s4 =	simm.s32 $0x1BF5;
	[smem:$0x3FAD] =	sst s0  }
0x18: {  	s0 =	sld [smem:$0x3F90];
	_ =	swait.ge [sflag:s4], $0x0  }
0x19: {  	s7 =	sld [smem:$0x3F91]  }
0x1a: {  	s8 =	sadd.s32 $0xFFFFE003, lr  }
0x1b: {  	s9 =	sadd.s32 $0xFFFFFEF7, lr;
	s5 =	simm.s32 $0xFFFFFFFF;
	p2 =	slt.u32 s8, $0xFFFFF086  }
0x1c: {  	p1 =	slt.u32 s9, $0xF7A;
	s5 =	simm.s32 @!p2 $0x0  }
0x1d: {  	s5 =	simm.s32 @p1 $0x1;
	p0 =	seq.s32 s7, s2  }
0x1e: {  	s7 =	smul.u32 @!p0 $0xF7A, s2;
	p2 =	seq.s32 @!p0 s5, $0x0  }
0x1f: {  	s9 =	smul.u32 $0xF7A, s1;
	s8 =	simm.s32 @!p0 $0x1BF5;
	p2 =	por !p2, p0  }
0x20: {  	[sflag:s8] =	ssyncset.s32 @!p0 $0xFFFFF086;
	s6 =	sadd.s32 @!p0 s3, s7;
	s7 =	simm.s32 @!p0 $0x108  }
0x21: {  	s3 =	sadd.s32 s3, s9;
	s6 =	sadd.s32 @!p0 $0x88, s6;
	s7 =	simm.s32 @p2 $0x1082  }
0x22: {  	[simem:s7], [sflag:s8] =	dma.local @!p0 [hbm:s6], $0xF7A  }
0x23: {  	s9 =	sor.u32 $0xD0000000, s2;
	s6 =	simm.s32 $0x108;
	_ =	swait.ge @!p0 [sflag:s8], $0x0  }
0x24: {  	s3 =	sadd.s32 $0x88, s3;
	s6 =	simm.s32 @!p1 $0x1082;
	[sflag:s4] =	ssyncset.s32 $0xFFFFF086  }
0x25: {  	[simem:s6], [sflag:s4] =	dma.local [hbm:s3], $0xF7A  }
0x26: {  	[smem:$0x3F91] =	sst s1;
	(tag) =	ssettag s2;
	_ =	strace s9  }
0x27: {  	s1 =	sld [smem:$0x3FA1]  }
0x28: {  	s2 =	sld [smem:$0x3FA2]  }
0x29: {  	s4 =	sld [smem:$0x3FA4]  }
0x2a: {  	p0 =	seq.s32 s5, $0x0;
	s5 =	sld [smem:$0x3FA5]  }
0x2b: {  	s6 =	sld [smem:$0x3FA6]  }
0x2c: {  	s7 =	sld [smem:$0x3FA7]  }
0x2d: {  	s3 =	simm.s32 $0x108;
	s8 =	sld [smem:$0x3FA8]  }
0x2e: {  	s3 =	simm.s32 @!p0 $0x1082;
	s9 =	sld [smem:$0x3FA9]  }
0x2f: {  	lr =	sadd.s32 s0, s3;
	s0 =	sld [smem:$0x3FA0]  }
0x30: {  	s3 =	sld [smem:$0x3FA3]  }
0x31: {  	[smem:$0x3FAC] =	sst s10  }
0x32: {  	s10 =	sld [smem:$0x3FAA];
	_ =	sdelay $0x3  }
0x33: {  	p0 =	seq.s32 s10, $0x1;
	s10 =	sld [smem:$0x3FAC];
	_ =	sdelay $0x3  }
0x34: {  	[smem:$0x3FAC] =	sst s10  }
0x35: {  	s10 =	sld [smem:$0x3FAB];
	_ =	sdelay $0x3  }
0x36: {  	p1 =	seq.s32 s10, $0x1;
	s10 =	sld [smem:$0x3FAC];
	_ =	sdelay $0x3  }
0x37: {  	[smem:$0x3FAC] =	sst s10  }
0x38: {  	s10 =	sld [smem:$0x3FAD]  }
0x39: {  	_ = 	snop;
	(pc) =	sbr.ind lr, $3  }
0x3a: {  	_ = 	snop  }
0x3b: {  	_ = 	snop  }
0x3c: {  	p2 =	seq.s32 s10, $0x1;
	s10 =	sld [smem:$0x3FAC]  }
0x3d: {  	_ =	shalt  }
0x3e: {  	_ =	shalt  }
0x3f: {  	_ =	shalt  }
0x40: {  	_ =	shalt  }
0x41: {  	_ =	shalt  }
0x42: {  	_ =	shalt  }
0x43: {  	_ =	shalt  }
0x44: {  	_ =	shalt  }
0x45: {  	_ =	shalt  }
0x46: {  	_ =	shalt  }
0x47: {  	_ =	shalt  }
0x48: {  	_ =	shalt  }
0x49: {  	_ =	shalt  }
0x4a: {  	_ =	shalt  }
0x4b: {  	_ =	shalt  }
0x4c: {  	_ =	shalt  }
0x4d: {  	_ =	shalt  }
0x4e: {  	_ =	shalt  }
0x4f: {  	_ =	shalt  }
0x50: {  	_ =	shalt  }
0x51: {  	_ =	shalt  }
0x52: {  	_ =	shalt  }
0x53: {  	_ =	shalt  }
0x54: {  	_ =	shalt  }
0x55: {  	_ =	shalt  }
0x56: {  	_ =	shalt  }
0x57: {  	_ =	shalt  }
0x58: {  	_ =	shalt  }
0x59: {  	_ =	shalt  }
0x5a: {  	_ =	shalt  }
0x5b: {  	_ =	shalt  }
0x5c: {  	_ =	shalt  }
0x5d: {  	_ =	shalt  }
0x5e: {  	_ =	shalt  }
0x5f: {  	_ =	shalt  }
0x60: {  	_ =	shalt  }
0x61: {  	_ =	shalt  }
0x62: {  	_ =	shalt  }
0x63: {  	_ =	shalt  }
0x64: {  	_ =	shalt  }
0x65: {  	_ =	shalt  }
0x66: {  	_ =	shalt  }
0x67: {  	_ =	shalt  }
0x68: {  	_ =	shalt  }
0x69: {  	_ =	shalt  }
0x6a: {  	_ =	shalt  }
0x6b: {  	_ =	shalt  }
0x6c: {  	_ =	shalt  }
0x6d: {  	_ =	shalt  }
0x6e: {  	_ =	shalt  }
0x6f: {  	_ =	shalt  }
0x70: {  	_ =	shalt  }
0x71: {  	_ =	shalt  }
0x72: {  	_ =	shalt  }
0x73: {  	_ =	shalt  }
0x74: {  	_ =	shalt  }
0x75: {  	_ =	shalt  }
0x76: {  	_ =	shalt  }
0x77: {  	_ =	shalt  }
0x78: {  	_ =	shalt  }
0x79: {  	_ =	shalt  }
0x7a: {  	_ =	shalt  }
0x7b: {  	_ =	shalt  }
0x7c: {  	_ =	shalt  }
0x7d: {  	_ =	shalt  }
0x7e: {  	_ =	shalt  }
0x7f: {  	_ =	shalt  }
0x80: {  	_ =	shalt  }
0x81: {  	_ =	shalt  }
0x82: {  	_ =	shalt  }
0x83: {  	_ =	shalt  }
0x84: {  	_ =	shalt  }
0x85: {  	_ =	shalt  }
0x86: {  	_ =	shalt  }
0x87: {  	_ =	shalt  }
.Lfunc_end0:
.L_simem_size_0:
called_computation_lowered:
.L_overlay_start_0:
0x88: {  	s2 =	sld [smem:$0x3FD9]  }
0x89: {  	s3 =	sld [smem:$0x3FFE];
	_ =	sdelay $0x1  }
0x8a: {  	s1 =	srdreg.scid  }
0x8b: {  	s0 =	sand.u32 $0x1, s1  }
0x8c: {  	s17 =	sshll.u32 s0, $0xA;
	s2 =	sadd.s32 s3, s2  }
0x8d: {  	s2 =	sadd.s32 s2, s17  }
0x8e: {  	[smem:$0x3FB8] =	sst s2  }
0x8f: {  	_ = 	snop  }
0x90: {  	s2 =	sld [smem:$0x3FC9]  }
0x91: {  	s18 =	sld [smem:$0x3FC8]  }
0x92: {  	s4 =	sld [smem:$0x3FD0];
	(tm) =	ssettm $0x1  }
0x93: {  	s5 =	sld [smem:$0x3FFB];
	_ =	sdelay $0x3  }
0x94: {  	_ =	strace s5  }
0x95: {  	s5 =	sld [smem:$0x3FFC];
	_ =	sdelay $0x3  }
0x96: {  	_ =	strace s5  }
0x97: {  	s5 =	sld [smem:$0x3FFD];
	_ =	sdelay $0x3  }
0x98: {  	_ =	strace s5  }
0x99: {  	_ =	strace $0x8FFFFFFF  }
0x9a: {  	s19 =	sld [smem:$0x3FDB];
	_ =	sdelay $0x1  }
0x9b: {  	s6 =	simm.s32 $_scs_section_size  }
0x9c: {  	s7 =	simm.s32 $_size__tile_overlayer_lowered;
	s8 =	simm.s32 $_tile_overlayer_lowered  }
0x9d: {  	s22 =	simm.s32 $0x1BFF;
	s21 =	sshll.u32 s8, $0x1;
	s5 =	sadd.s32 s6, s19  }
0x9e: {  	s9 =	simm.s32 $0x0;
	s20 =	sshll.u32 s7, $0x1;
	s7 =	sadd.s32 s21, s5  }
0x9f: {  	[timem:s9], [sflag:s22] =	dma.local [hbm:s7], s20  }
0xa0: {  	_ =	swait.ge [sflag:s22], s20  }
0xa1: {  	s6 =	ssub.s32 $0x0, s20;
	[sflag:s22] =	ssyncset.done $0x0  }
0xa2: {  	[sflag:s22] =	ssyncadd.s32 s6;
	_ =	sdelay $0x1  }
0xa3: {  	s23 =	simm.s32 $0x1B8B  }
0xa4: {  	_ =	swait.ge [sflag:s23], $0x1  }
0xa5: {  	[sflag:s23] =	ssyncset.done $0x0  }
0xa6: {  	s25 =	simm.s32 $0x1B8E;
	s24 =	sld [smem:$0x3FFE];
	[sflag:s23] =	ssyncadd.s32 $0xFFFFFFFF  }
0xa7: {  	s26 =	simm.s32 $execute0_lowered;
	[smem:$0x3FD2] =	sst s25  }
0xa8: {  	s7 =	sshll.u32 s26, $0x1;
	_ =	strace $0x80000046;
	[dreg:$0x1] =	wrdreg $0xFFFFFFFF  }
0xa9: {  	s28 =	simm.s32 $_size_execute0_lowered;
	s5 =	sadd.s32 s5, s7;
	[dreg:$0x0] =	wrdreg $0x0  }
0xaa: {  	s7 =	sshll.u32 s28, $0x1;
	[dreg:$0x2] =	wrdreg s5  }
0xab: {  	[dreg:$0x3] =	wrdreg s7  }
0xac: {  	[dreg:$0x4] =	wrdreg $0xC0  }
0xad: {  	_ =	task [dreg:s9], $0x5FFFF  }
0xae: {  	[dreg:$0x1] =	wrdreg $0xFFFFFFFF  }
0xaf: {  	[dreg:$0x0] =	wrdreg $0x60  }
0xb0: {  	[dreg:$0x2] =	wrdreg s2  }
0xb1: {  	[dreg:$0x3] =	wrdreg s18  }
0xb2: {  	[dreg:$0x4] =	wrdreg s24  }
0xb3: {  	[dreg:$0x5] =	wrdreg s4  }
0xb4: {  	[dreg:$0x6] =	wrdreg $0x9  }
0xb5: {  	_ =	task.clear_ibuf [dreg:s9], $0x7FFFF;
	_ =	strace $0x90000046  }
0xb6: {  	s29 =	simm.s32 $0x9;
	_ =	strace $0x80000048  }
0xb7: {  	_ =	swait.ge [sflag:s29], $0x1  }
0xb8: {  	[sflag:s29] =	ssyncadd.s32 $0xFFFFFFFF  }
0xb9: {  	_ =	strace $0x90000048  }
0xba: {  	_ =	sfence  }
0xbb: {  	s30 =	sld [smem:$0x0];
	_ =	sdelay $0x2  }
0xbc: {  	s31 =	sshll.u32 s1, $0xD;
	s1 =	sshrl.u32 s1, $0x2  }
0xbd: {  	s3 =	sand.u32 $0x4000, s31;
	s1 =	sadd.s32 s1, s30  }
0xbe: {  	s0 =	sor.u32 s3, s0;
	s1 =	sshll.u32 s1, $0x11  }
0xbf: {  	s0 =	sor.u32 s1, s0  }
0xc0: {  	s0 =	sadd.s32 $0x8F2B, s0  }
0xc1: {  	[sflag:s0] =	ssyncadd.remote.s32 $0x1  }
0xc2: {  	_ =	sfence.sel $0xFFFF  }
0xc3: {  	[dreg:$0x0] =	wrdreg $0xFFFFFFFF;
	(pc) =	sbr.abs _section_cstart, $3  }
0xc4: {  	[dreg:$0x1] =	wrdreg $0xFFFFFFFF  }
0xc5: {  	_ =	task.clear_ibuf [dreg:s9], $0x2FFFF;
	_ =	strace $0x9FFFFFFF  }
0xc6: {  	(tm) =	ssettm $0x7FFFFFFF  }
0xc7: {  	_ =	shalt  }
tec
execute0_lowered:
.L_overlay_start_1:
0x0: {  	(tag) =	ssettag $0x1  }
0x1: {  	s0 =	rddreg [dreg:$0x0]  }
0x2: {  	s7 =	rddreg [dreg:$0x1]  }
0x3: {  	s1 =	rddreg [dreg:$0x2]  }
0x4: {  	s11 =	rddreg [dreg:$0x3];
	s2 =	simm.s32 $0x0;
	s12 =	srdreg.scid  }
0x5: {  	s14 =	stileid.u32;
	s28 =	simm.s32 $0x300;
	s29 =	simm.s32 $0x180  }
0x6: {  	s30 =	simm.s32 $0x380;
	s31 =	simm.s32 $0x1;
	s3 =	sadd.s32 $0xF42400, s1  }
0x7: {  	[smem:$0x7FF] =	sst s2;
	s4 =	sadd.s32 $0x112AA00, s1;
	s5 =	sadd.s32 $0x1313000, s1  }
0x8: {  	s6 =	sadd.s32 $0x14FB600, s1;
	s8 =	sadd.s32 $0x1EA00, s1;
	s9 =	sadd.s32 $0x3D400, s1  }
0x9: {  	s10 =	sadd.s32 $0x5BE00, s1;
	s12 =	sand.u32 $0x1, s12;
	s14 =	sshll.u32 s14, $0x7  }
0xa: {  	s15 =	sadd.s32 $0x7A800, s1;
	s13 =	ssub.s32 $0x2, s12;
	s12 =	sshll.u32 s12, $0x6  }
0xb: {  	_ =	strace $0x80000047;
	s19 =	sshrl.u32 s13, $0x1;
	s12 =	sor.u32 s12, s14  }
0xc: {  	[dreg:$0x5] =	wrdreg s15;
	s13 =	ssub.s32 s13, s19;
	s14 =	sadd.s32 s0, s12  }
0xd: {  	s20 =	sor.u32 $0x10, s12;
	s21 =	sadd.s32 s7, s12;
	[dreg:$0x6] =	wrdreg s14  }
0xe: {  	s23 =	sor.u32 $0x20, s12;
	s25 =	sor.u32 $0x30, s12;
	[dreg:$0x7] =	wrdreg s21  }
0xf: {  	s22 =	sadd.s32 s0, s20;
	s14 =	sadd.s32 s7, s20;
	s24 =	sadd.s32 s0, s23  }
0x10: {  	s15 =	sadd.s32 s7, s23;
	s0 =	sadd.s32 s0, s25;
	[dreg:$0x8] =	wrdreg s22  }
0x11: {  	s26 =	sadd.s32 s7, s25;
	s20 =	sadd.s32 s11, s12;
	[dreg:$0x9] =	wrdreg s14  }
0x12: {  	s21 =	smax.u32 s13, $0x1;
	s23 =	simm.s32 $0x200;
	[dreg:$0xa] =	wrdreg s24  }
0x13: {  	s25 =	simm.s32 $0x280;
	s7 =	simm.s32 $0x2400;
	[dreg:$0xb] =	wrdreg s15  }
0x14: {  	s11 =	simm.s32 $0x6400;
	s12 =	simm.s32 $0x2;
	[dreg:$0xc] =	wrdreg s0  }
0x15: {  	v0 =	vlaneseq.u32;
	s13 =	simm.s32 $0x0;
	[dreg:$0xd] =	wrdreg s26;
	s24 =	simm.s32 $0x80  }
0x16: {  	v0 =	vmul.u32 $0x10, v0;
	s26 =	simm.s32 $0x100;
	s0 =	simm.s32 $0x400;
	s22 =	simm.s32 $0x4400  }
.LBB2_1:
0x17: {  	s14 =	rddreg [dreg:$0x5];
	s15 =	simm.s32 $0x8C00  }
0x18: {  	[tilespmem:s15], [sflag:$0x1] =	stream.linear.gather [hbm4b:s14+s2], $0x30, $0x38;
	[tilespmem:$0x8E30] =	vst v63  }
0x19: {  	s16 =	rddreg [dreg:$0x6]  }
0x1a: {  	[tilespmem:s2], [sflag:$0x1] =	stream.linear.gather [hbm4b:s16+s2], $0x80, $0x38;
	[tilespmem:$0x8E30] =	vst v63  }
0x1b: {  	s17 =	rddreg [dreg:$0x7]  }
0x1c: {  	[tilespmem:s23], [sflag:$0x1] =	stream.linear.gather [hbm4b:s17+s2], $0x80, $0x38;
	[tilespmem:$0x8E30] =	vst v63  }
0x1d: {  	s18 =	rddreg [dreg:$0x8]  }
0x1e: {  	[tilespmem:s24], [sflag:$0x1] =	stream.linear.gather [hbm4b:s18+s2], $0x80, $0x38;
	[tilespmem:$0x8E30] =	vst v63  }
0x1f: {  	s19 =	rddreg [dreg:$0x9]  }
0x20: {  	[tilespmem:s25], [sflag:$0x1] =	stream.linear.gather [hbm4b:s19+s2], $0x80, $0x38;
	[tilespmem:$0x8E30] =	vst v63  }
0x21: {  	s15 =	rddreg [dreg:$0xa]  }
0x22: {  	[tilespmem:s26], [sflag:$0x1] =	stream.linear.gather [hbm4b:s15+s2], $0x80, $0x38;
	[tilespmem:$0x8E30] =	vst v63  }
0x23: {  	s16 =	rddreg [dreg:$0xb]  }
0x24: {  	[tilespmem:s28], [sflag:$0x1] =	stream.linear.gather [hbm4b:s16+s2], $0x80, $0x38;
	[tilespmem:$0x8E30] =	vst v63  }
0x25: {  	s17 =	rddreg [dreg:$0xc]  }
0x26: {  	[tilespmem:s29], [sflag:$0x1] =	stream.linear.gather [hbm4b:s17+s2], $0x80, $0x38;
	[tilespmem:$0x8E30] =	vst v63  }
0x27: {  	s18 =	rddreg [dreg:$0xd]  }
0x28: {  	[tilespmem:s30], [sflag:$0x1] =	stream.linear.gather [hbm4b:s18+s2], $0x80, $0x38;
	[tilespmem:$0x8E30] =	vst v63  }
0x29: {  	_ =	swait.ge [sflag:s31], $0x30  }
0x2a: {  	[sflag:s31] =	ssyncset.done $0x0  }
0x2b: {  	[sflag:s31] =	ssyncadd.s32 $0xFFFFFFD0  }
0x2c: {  	_ =	swait.ge [sflag:s31], $0x80  }
0x2d: {  	[sflag:s31] =	ssyncset.done $0x0  }
0x2e: {  	[sflag:s31] =	ssyncadd.s32 $0xFFFFFF80  }
0x2f: {  	_ =	swait.ge [sflag:s31], $0x80  }
0x30: {  	[sflag:s31] =	ssyncset.done $0x0  }
0x31: {  	[sflag:s31] =	ssyncadd.s32 $0xFFFFFF80  }
0x32: {  	_ =	swait.ge [sflag:s31], $0x80  }
0x33: {  	[sflag:s31] =	ssyncset.done $0x0  }
0x34: {  	[sflag:s31] =	ssyncadd.s32 $0xFFFFFF80  }
0x35: {  	_ =	swait.ge [sflag:s31], $0x80  }
0x36: {  	[sflag:s31] =	ssyncset.done $0x0  }
0x37: {  	[sflag:s31] =	ssyncadd.s32 $0xFFFFFF80  }
0x38: {  	_ =	swait.ge [sflag:s31], $0x80  }
0x39: {  	[sflag:s31] =	ssyncset.done $0x0  }
0x3a: {  	[sflag:s31] =	ssyncadd.s32 $0xFFFFFF80  }
0x3b: {  	_ =	swait.ge [sflag:s31], $0x80  }
0x3c: {  	[sflag:s31] =	ssyncset.done $0x0  }
0x3d: {  	[sflag:s31] =	ssyncadd.s32 $0xFFFFFF80  }
0x3e: {  	_ =	swait.ge [sflag:s31], $0x80  }
0x3f: {  	[sflag:s31] =	ssyncset.done $0x0  }
0x40: {  	[sflag:s31] =	ssyncadd.s32 $0xFFFFFF80  }
0x41: {  	_ =	swait.ge [sflag:s31], $0x80  }
0x42: {  	[sflag:s31] =	ssyncset.done $0x0  }
0x43: {  	[sflag:s31] =	ssyncadd.s32 $0xFFFFFF80  }
0x44: {  	[tilespmem:s0], [sflag:$0x1] =	stream.indirect.gather [hbm4b:s3+s24], $0x10, s2, s24, $0xb8;
	[tilespmem:$0x8E30] =	vst v63  }
0x45: {  	_ = 	snop  }
0x46: {  	[tilespmem:s7], [sflag:$0x1] =	stream.indirect.gather [hbm4b:s4+s24], $0x10, s23, s24, $0xb8;
	[tilespmem:$0x8E30] =	vst v63  }
0x47: {  	_ = 	snop  }
0x48: {  	[tilespmem:s22], [sflag:$0x1] =	stream.indirect.gather [hbm4b:s5+s24], $0x10, s2, s24, $0xb8;
	[tilespmem:$0x8E30] =	vst v63  }
0x49: {  	_ = 	snop  }
0x4a: {  	[tilespmem:s11], [sflag:$0x1] =	stream.indirect.gather [hbm4b:s6+s24], $0x10, s23, s24, $0xb8;
	[tilespmem:$0x8E30] =	vst v63  }
0x4b: {  	s16 =	simm.s32 $0x8400  }
0x4c: {  	[tilespmem:s16], [sflag:$0x1] =	stream.indirect.gather [hbm4b:s1+s24], $0x1, s2, s24, $0xb8;
	[tilespmem:$0x8E30] =	vst v63  }
0x4d: {  	s14 =	simm.s32 $0x8600  }
0x4e: {  	[tilespmem:s14], [sflag:$0x1] =	stream.indirect.gather [hbm4b:s8+s24], $0x1, s23, s24, $0xb8;
	[tilespmem:$0x8E30] =	vst v63  }
0x4f: {  	s17 =	simm.s32 $0x8800  }
0x50: {  	[tilespmem:s17], [sflag:$0x1] =	stream.indirect.gather [hbm4b:s9+s24], $0x1, s2, s24, $0xb8;
	[tilespmem:$0x8E30] =	vst v63  }
0x51: {  	s15 =	simm.s32 $0x8A00  }
0x52: {  	[tilespmem:s15], [sflag:$0x1] =	stream.indirect.gather [hbm4b:s10+s24], $0x1, s23, s24, $0xb8;
	[tilespmem:$0x8E30] =	vst v63  }
0x53: {  	s18 =	simm.s32 $0xC00  }
0x54: {  	[tilespmem:s18], [sflag:$0x1] =	stream.indirect.gather [hbm4b:s3+s24], $0x10, s24, s24, $0xb8;
	[tilespmem:$0x8E30] =	vst v63  }
0x55: {  	s19 =	simm.s32 $0x2C00  }
0x56: {  	[tilespmem:s19], [sflag:$0x1] =	stream.indirect.gather [hbm4b:s4+s24], $0x10, s25, s24, $0xb8;
	[tilespmem:$0x8E30] =	vst v63  }
0x57: {  	s19 =	simm.s32 $0x4C00  }
0x58: {  	[tilespmem:s19], [sflag:$0x1] =	stream.indirect.gather [hbm4b:s5+s24], $0x10, s24, s24, $0xb8;
	[tilespmem:$0x8E30] =	vst v63  }
0x59: {  	s19 =	simm.s32 $0x6C00  }
0x5a: {  	[tilespmem:s19], [sflag:$0x1] =	stream.indirect.gather [hbm4b:s6+s24], $0x10, s25, s24, $0xb8;
	[tilespmem:$0x8E30] =	vst v63  }
0x5b: {  	s19 =	simm.s32 $0x8480  }
0x5c: {  	[tilespmem:s19], [sflag:$0x1] =	stream.indirect.gather [hbm4b:s1+s24], $0x1, s24, s24, $0xb8;
	[tilespmem:$0x8E30] =	vst v63  }
0x5d: {  	s19 =	simm.s32 $0x8680  }
0x5e: {  	[tilespmem:s19], [sflag:$0x1] =	stream.indirect.gather [hbm4b:s8+s24], $0x1, s25, s24, $0xb8;
	[tilespmem:$0x8E30] =	vst v63  }
0x5f: {  	s19 =	simm.s32 $0x8880  }
0x60: {  	[tilespmem:s19], [sflag:$0x1] =	stream.indirect.gather [hbm4b:s9+s24], $0x1, s24, s24, $0xb8;
	[tilespmem:$0x8E30] =	vst v63  }
0x61: {  	s19 =	simm.s32 $0x8A80  }
0x62: {  	[tilespmem:s19], [sflag:$0x1] =	stream.indirect.gather [hbm4b:s10+s24], $0x1, s25, s24, $0xb8;
	[tilespmem:$0x8E30] =	vst v63  }
0x63: {  	s19 =	simm.s32 $0x1400  }
0x64: {  	[tilespmem:s19], [sflag:$0x1] =	stream.indirect.gather [hbm4b:s3+s24], $0x10, s26, s24, $0xb8;
	[tilespmem:$0x8E30] =	vst v63  }
0x65: {  	s19 =	simm.s32 $0x3400  }
0x66: {  	[tilespmem:s19], [sflag:$0x1] =	stream.indirect.gather [hbm4b:s4+s24], $0x10, s28, s24, $0xb8;
	[tilespmem:$0x8E30] =	vst v63  }
0x67: {  	s19 =	simm.s32 $0x5400  }
0x68: {  	[tilespmem:s19], [sflag:$0x1] =	stream.indirect.gather [hbm4b:s5+s24], $0x10, s26, s24, $0xb8;
	[tilespmem:$0x8E30] =	vst v63  }
0x69: {  	s19 =	simm.s32 $0x7400  }
0x6a: {  	[tilespmem:s19], [sflag:$0x1] =	stream.indirect.gather [hbm4b:s6+s24], $0x10, s28, s24, $0xb8;
	[tilespmem:$0x8E30] =	vst v63  }
0x6b: {  	s19 =	simm.s32 $0x8500  }
0x6c: {  	[tilespmem:s19], [sflag:$0x1] =	stream.indirect.gather [hbm4b:s1+s24], $0x1, s26, s24, $0xb8;
	[tilespmem:$0x8E30] =	vst v63  }
0x6d: {  	s19 =	simm.s32 $0x8700  }
0x6e: {  	[tilespmem:s19], [sflag:$0x1] =	stream.indirect.gather [hbm4b:s8+s24], $0x1, s28, s24, $0xb8;
	[tilespmem:$0x8E30] =	vst v63  }
0x6f: {  	s19 =	simm.s32 $0x8900  }
0x70: {  	[tilespmem:s19], [sflag:$0x1] =	stream.indirect.gather [hbm4b:s9+s24], $0x1, s26, s24, $0xb8;
	[tilespmem:$0x8E30] =	vst v63  }
0x71: {  	s19 =	simm.s32 $0x8B00  }
0x72: {  	[tilespmem:s19], [sflag:$0x1] =	stream.indirect.gather [hbm4b:s10+s24], $0x1, s28, s24, $0xb8;
	[tilespmem:$0x8E30] =	vst v63  }
0x73: {  	s19 =	simm.s32 $0x1C00  }
0x74: {  	[tilespmem:s19], [sflag:$0x1] =	stream.indirect.gather [hbm4b:s3+s24], $0x10, s29, s24, $0xb8;
	[tilespmem:$0x8E30] =	vst v63  }
0x75: {  	s19 =	simm.s32 $0x3C00  }
0x76: {  	[tilespmem:s19], [sflag:$0x1] =	stream.indirect.gather [hbm4b:s4+s24], $0x10, s30, s24, $0xb8;
	[tilespmem:$0x8E30] =	vst v63  }
0x77: {  	s19 =	simm.s32 $0x5C00  }
0x78: {  	[tilespmem:s19], [sflag:$0x1] =	stream.indirect.gather [hbm4b:s5+s24], $0x10, s29, s24, $0xb8;
	[tilespmem:$0x8E30] =	vst v63  }
0x79: {  	s19 =	simm.s32 $0x7C00  }
0x7a: {  	[tilespmem:s19], [sflag:$0x1] =	stream.indirect.gather [hbm4b:s6+s24], $0x10, s30, s24, $0xb8;
	[tilespmem:$0x8E30] =	vst v63  }
0x7b: {  	s19 =	simm.s32 $0x8580  }
0x7c: {  	[tilespmem:s19], [sflag:$0x1] =	stream.indirect.gather [hbm4b:s1+s24], $0x1, s29, s24, $0xb8;
	[tilespmem:$0x8E30] =	vst v63  }
0x7d: {  	s19 =	simm.s32 $0x8780  }
0x7e: {  	[tilespmem:s19], [sflag:$0x1] =	stream.indirect.gather [hbm4b:s8+s24], $0x1, s30, s24, $0xb8;
	[tilespmem:$0x8E30] =	vst v63  }
0x7f: {  	s19 =	simm.s32 $0x8980  }
0x80: {  	[tilespmem:s19], [sflag:$0x1] =	stream.indirect.gather [hbm4b:s9+s24], $0x1, s29, s24, $0xb8;
	[tilespmem:$0x8E30] =	vst v63  }
0x81: {  	s19 =	simm.s32 $0x8B80  }
0x82: {  	[tilespmem:s19], [sflag:$0x1] =	stream.indirect.gather [hbm4b:s10+s24], $0x1, s30, s24, $0xb8;
	[tilespmem:$0x8E30] =	vst v63  }
0x83: {  	_ =	swait.ge [sflag:s31], $0x800  }
0x84: {  	[sflag:s31] =	ssyncset.done $0x0  }
0x85: {  	[sflag:s31] =	ssyncadd.s32 $0xFFFFF800  }
0x86: {  	_ =	swait.ge [sflag:s31], $0x800  }
0x87: {  	[sflag:s31] =	ssyncset.done $0x0  }
0x88: {  	[sflag:s31] =	ssyncadd.s32 $0xFFFFF800  }
0x89: {  	_ =	swait.ge [sflag:s31], $0x800  }
0x8a: {  	[sflag:s31] =	ssyncset.done $0x0  }
0x8b: {  	[sflag:s31] =	ssyncadd.s32 $0xFFFFF800  }
0x8c: {  	_ =	swait.ge [sflag:s31], $0x800  }
0x8d: {  	[sflag:s31] =	ssyncset.done $0x0  }
0x8e: {  	[sflag:s31] =	ssyncadd.s32 $0xFFFFF800  }
0x8f: {  	_ =	swait.ge [sflag:s31], $0x80  }
0x90: {  	[sflag:s31] =	ssyncset.done $0x0  }
0x91: {  	[sflag:s31] =	ssyncadd.s32 $0xFFFFFF80  }
0x92: {  	_ =	swait.ge [sflag:s31], $0x80  }
0x93: {  	[sflag:s31] =	ssyncset.done $0x0  }
0x94: {  	[sflag:s31] =	ssyncadd.s32 $0xFFFFFF80  }
0x95: {  	_ =	swait.ge [sflag:s31], $0x80  }
0x96: {  	[sflag:s31] =	ssyncset.done $0x0  }
0x97: {  	[sflag:s31] =	ssyncadd.s32 $0xFFFFFF80  }
0x98: {  	_ =	swait.ge [sflag:s31], $0x80  }
0x99: {  	[sflag:s31] =	ssyncset.done $0x0  }
0x9a: {  	[sflag:s31] =	ssyncadd.s32 $0xFFFFFF80  }
0x9b: {  	_ =	swait.ge [sflag:s31], $0x800  }
0x9c: {  	[sflag:s31] =	ssyncset.done $0x0  }
0x9d: {  	[sflag:s31] =	ssyncadd.s32 $0xFFFFF800  }
0x9e: {  	_ =	swait.ge [sflag:s31], $0x800  }
0x9f: {  	[sflag:s31] =	ssyncset.done $0x0  }
0xa0: {  	[sflag:s31] =	ssyncadd.s32 $0xFFFFF800  }
0xa1: {  	_ =	swait.ge [sflag:s31], $0x800  }
0xa2: {  	[sflag:s31] =	ssyncset.done $0x0  }
0xa3: {  	[sflag:s31] =	ssyncadd.s32 $0xFFFFF800  }
0xa4: {  	_ =	swait.ge [sflag:s31], $0x800  }
0xa5: {  	[sflag:s31] =	ssyncset.done $0x0  }
0xa6: {  	[sflag:s31] =	ssyncadd.s32 $0xFFFFF800  }
0xa7: {  	_ =	swait.ge [sflag:s31], $0x80  }
0xa8: {  	[sflag:s31] =	ssyncset.done $0x0  }
0xa9: {  	[sflag:s31] =	ssyncadd.s32 $0xFFFFFF80  }
0xaa: {  	_ =	swait.ge [sflag:s31], $0x80  }
0xab: {  	[sflag:s31] =	ssyncset.done $0x0  }
0xac: {  	[sflag:s31] =	ssyncadd.s32 $0xFFFFFF80  }
0xad: {  	_ =	swait.ge [sflag:s31], $0x80  }
0xae: {  	[sflag:s31] =	ssyncset.done $0x0  }
0xaf: {  	[sflag:s31] =	ssyncadd.s32 $0xFFFFFF80  }
0xb0: {  	_ =	swait.ge [sflag:s31], $0x80  }
0xb1: {  	[sflag:s31] =	ssyncset.done $0x0  }
0xb2: {  	[sflag:s31] =	ssyncadd.s32 $0xFFFFFF80  }
0xb3: {  	_ =	swait.ge [sflag:s31], $0x800  }
0xb4: {  	[sflag:s31] =	ssyncset.done $0x0  }
0xb5: {  	[sflag:s31] =	ssyncadd.s32 $0xFFFFF800  }
0xb6: {  	_ =	swait.ge [sflag:s31], $0x800  }
0xb7: {  	[sflag:s31] =	ssyncset.done $0x0  }
0xb8: {  	[sflag:s31] =	ssyncadd.s32 $0xFFFFF800  }
0xb9: {  	_ =	swait.ge [sflag:s31], $0x800  }
0xba: {  	[sflag:s31] =	ssyncset.done $0x0  }
0xbb: {  	[sflag:s31] =	ssyncadd.s32 $0xFFFFF800  }
0xbc: {  	_ =	swait.ge [sflag:s31], $0x800  }
0xbd: {  	[sflag:s31] =	ssyncset.done $0x0  }
0xbe: {  	[sflag:s31] =	ssyncadd.s32 $0xFFFFF800  }
0xbf: {  	_ =	swait.ge [sflag:s31], $0x80  }
0xc0: {  	[sflag:s31] =	ssyncset.done $0x0  }
0xc1: {  	[sflag:s31] =	ssyncadd.s32 $0xFFFFFF80  }
0xc2: {  	_ =	swait.ge [sflag:s31], $0x80  }
0xc3: {  	[sflag:s31] =	ssyncset.done $0x0  }
0xc4: {  	[sflag:s31] =	ssyncadd.s32 $0xFFFFFF80  }
0xc5: {  	_ =	swait.ge [sflag:s31], $0x80  }
0xc6: {  	[sflag:s31] =	ssyncset.done $0x0  }
0xc7: {  	[sflag:s31] =	ssyncadd.s32 $0xFFFFFF80  }
0xc8: {  	_ =	swait.ge [sflag:s31], $0x80  }
0xc9: {  	[sflag:s31] =	ssyncset.done $0x0  }
0xca: {  	[sflag:s31] =	ssyncadd.s32 $0xFFFFFF80  }
0xcb: {  	_ =	swait.ge [sflag:s31], $0x800  }
0xcc: {  	[sflag:s31] =	ssyncset.done $0x0  }
0xcd: {  	[sflag:s31] =	ssyncadd.s32 $0xFFFFF800  }
0xce: {  	_ =	swait.ge [sflag:s31], $0x800  }
0xcf: {  	[sflag:s31] =	ssyncset.done $0x0  }
0xd0: {  	[sflag:s31] =	ssyncadd.s32 $0xFFFFF800  }
0xd1: {  	_ =	swait.ge [sflag:s31], $0x800  }
0xd2: {  	[sflag:s31] =	ssyncset.done $0x0  }
0xd3: {  	[sflag:s31] =	ssyncadd.s32 $0xFFFFF800  }
0xd4: {  	_ =	swait.ge [sflag:s31], $0x800  }
0xd5: {  	[sflag:s31] =	ssyncset.done $0x0  }
0xd6: {  	[sflag:s31] =	ssyncadd.s32 $0xFFFFF800  }
0xd7: {  	_ =	swait.ge [sflag:s31], $0x80  }
0xd8: {  	[sflag:s31] =	ssyncset.done $0x0  }
0xd9: {  	[sflag:s31] =	ssyncadd.s32 $0xFFFFFF80  }
0xda: {  	_ =	swait.ge [sflag:s31], $0x80  }
0xdb: {  	[sflag:s31] =	ssyncset.done $0x0  }
0xdc: {  	[sflag:s31] =	ssyncadd.s32 $0xFFFFFF80  }
0xdd: {  	_ =	swait.ge [sflag:s31], $0x80  }
0xde: {  	[sflag:s31] =	ssyncset.done $0x0  }
0xdf: {  	v1 =	vmov s2;
	[sflag:s31] =	ssyncadd.s32 $0xFFFFFF80  }
0xe0: {  	v1 =	vshll.u32 v1, $0x4;
	_ =	swait.ge [sflag:s31], $0x80  }
0xe1: {  	v28 =	vor.u32 v0, v1;
	[sflag:s31] =	ssyncset.done $0x0  }
0xe2: {  	[sflag:s31] =	ssyncadd.s32 $0xFFFFFF80  }
0xe3: {  	v1 =	vld [tilespmem:$0x8C20]  }
0xe4: {  	v32 =	vld [tilespmem:$0x8C00]  }
0xe5: {  	v33 =	vld [tilespmem:$0x8C10]  }
0xe6: {  	v4 =	vld.idx.msk [tilespmem:v28+s22+$0x0], $0xffff  }
0xe7: {  	v2 =	vld [tilespmem:s16+$0x0]  }
0xe8: {  	v5 =	vld.idx.msk [tilespmem:v28+s0+$0x0], $0xffff  }
0xe9: {  	v6 =	vor.u32 $0x1, v28;
	v3 =	vld [tilespmem:s17+$0x0]  }
0xea: {  	v7 =	vld.idx.msk [tilespmem:v28+s7+$0x0], $0xffff  }
0xeb: {  	v8 =	vld [tilespmem:s14+$0x0]  }
0xec: {  	v9 =	vld.idx.msk [tilespmem:v28+s11+$0x0], $0xffff  }
0xed: {  	v10 =	vor.u32 $0x2, v28;
	v11 =	vld [tilespmem:s15+$0x0];
	v2 =	vadd.f32 v2, v1  }
0xee: {  	v12 =	vld.idx.msk [tilespmem:v6+s0+$0x0], $0xffff  }
0xef: {  	v13 =	vld.idx.msk [tilespmem:v6+s7+$0x0], $0xffff;
	v2 =	vadd.f32 v3, v2  }
0xf0: {  	v15 =	vor.u32 $0x3, v28;
	v14 =	vld.idx.msk [tilespmem:v6+s22+$0x0], $0xffff  }
0xf1: {  	v6 =	vld.idx.msk [tilespmem:v6+s11+$0x0], $0xffff;
	v5 =	vmul.f32 v7, v5;
	v3 =	vbroadcast v32, $0x0;
	v8 =	vadd.f32 v8, v2  }
0xf2: {  	v7 =	vld.idx.msk [tilespmem:v10+s0+$0x0], $0xffff;
	v9 =	vmul.f32 v9, v4  }
0xf3: {  	v2 =	vbroadcast v33, $0x0;
	v5 =	vmul.f32 v5, v3;
	v8 =	vadd.f32 v11, v8;
	v11 =	vld.idx.msk [tilespmem:v10+s7+$0x0], $0xffff  }
0xf4: {  	v16 =	vld.idx.msk [tilespmem:v10+s22+$0x0], $0xffff;
	v4 =	vbroadcast v32, $0x1;
	v12 =	vmul.f32 v13, v12  }
0xf5: {  	v13 =	vor.u32 $0x4, v28;
	v9 =	vmul.f32 v9, v2;
	v10 =	vld.idx.msk [tilespmem:v10+s11+$0x0], $0xffff;
	v8 =	vadd.f32 v5, v8  }
0xf6: {  	v17 =	vld.idx.msk [tilespmem:v15+s0+$0x0], $0xffff;
	v5 =	vbroadcast v33, $0x1  }
0xf7: {  	v18 =	vld.idx.msk [tilespmem:v15+s22+$0x0], $0xffff;
	v8 =	vadd.f32 v9, v8;
	v9 =	vmul.f32 v12, v4;
	v12 =	vmul.f32 v6, v14  }
0xf8: {  	v6 =	vbroadcast v32, $0x2;
	v14 =	vld.idx.msk [tilespmem:v15+s7+$0x0], $0xffff;
	v11 =	vmul.f32 v11, v7  }
0xf9: {  	v15 =	vld.idx.msk [tilespmem:v15+s11+$0x0], $0xffff;
	v8 =	vadd.f32 v9, v8;
	v9 =	vmul.f32 v12, v5;
	v12 =	vor.u32 $0x5, v28  }
0xfa: {  	v19 =	vld.idx.msk [tilespmem:v13+s0+$0x0], $0xffff;
	v7 =	vbroadcast v33, $0x2;
	v10 =	vmul.f32 v10, v16  }
0xfb: {  	v16 =	vld.idx.msk [tilespmem:v13+s7+$0x0], $0xffff;
	v11 =	vmul.f32 v11, v6;
	v9 =	vadd.f32 v9, v8  }
0xfc: {  	v20 =	vld.idx.msk [tilespmem:v13+s22+$0x0], $0xffff;
	v10 =	vmul.f32 v10, v7;
	v8 =	vbroadcast v32, $0x3  }
0xfd: {  	v13 =	vld.idx.msk [tilespmem:v13+s11+$0x0], $0xffff;
	v14 =	vmul.f32 v14, v17;
	v17 =	vor.u32 $0x6, v28;
	v11 =	vadd.f32 v11, v9  }
0xfe: {  	v15 =	vmul.f32 v15, v18;
	v21 =	vld.idx.msk [tilespmem:v12+s0+$0x0], $0xffff  }
0xff: {  	v9 =	vbroadcast v33, $0x3;
	v14 =	vmul.f32 v14, v8;
	v18 =	vld.idx.msk [tilespmem:v12+s7+$0x0], $0xffff;
	v11 =	vadd.f32 v10, v11  }
0x100: {  	v16 =	vmul.f32 v16, v19;
	v19 =	vor.u32 $0x7, v28;
	v22 =	vld.idx.msk [tilespmem:v12+s22+$0x0], $0xffff  }
0x101: {  	v23 =	vld.idx.msk [tilespmem:v12+s11+$0x0], $0xffff;
	v10 =	vbroadcast v32, $0x4;
	v15 =	vmul.f32 v15, v9;
	v14 =	vadd.f32 v14, v11  }
0x102: {  	v13 =	vmul.f32 v13, v20;
	v24 =	vld.idx.msk [tilespmem:v17+s0+$0x0], $0xffff  }
0x103: {  	v11 =	vbroadcast v33, $0x4;
	v20 =	vld.idx.msk [tilespmem:v17+s22+$0x0], $0xffff;
	v14 =	vadd.f32 v15, v14;
	v15 =	vmul.f32 v16, v10  }
0x104: {  	v12 =	vbroadcast v32, $0x5;
	v16 =	vld.idx.msk [tilespmem:v17+s7+$0x0], $0xffff;
	v18 =	vmul.f32 v18, v21  }
0x105: {  	v21 =	vor.u32 $0x8, v28;
	v17 =	vld.idx.msk [tilespmem:v17+s11+$0x0], $0xffff;
	v14 =	vadd.f32 v15, v14;
	v15 =	vmul.f32 v13, v11  }
0x106: {  	v25 =	vld.idx.msk [tilespmem:v19+s0+$0x0], $0xffff;
	v22 =	vmul.f32 v23, v22;
	v13 =	vbroadcast v33, $0x5  }
0x107: {  	v23 =	vld.idx.msk [tilespmem:v19+s7+$0x0], $0xffff;
	v18 =	vmul.f32 v18, v12;
	v15 =	vadd.f32 v15, v14  }
0x108: {  	v26 =	vld.idx.msk [tilespmem:v19+s22+$0x0], $0xffff;
	v14 =	vbroadcast v32, $0x6;
	v22 =	vmul.f32 v22, v13  }
0x109: {  	v19 =	vld.idx.msk [tilespmem:v19+s11+$0x0], $0xffff;
	v16 =	vmul.f32 v16, v24;
	v24 =	vor.u32 $0x9, v28;
	v18 =	vadd.f32 v18, v15  }
0x10a: {  	v27 =	vld.idx.msk [tilespmem:v21+s0+$0x0], $0xffff;
	v17 =	vmul.f32 v17, v20  }
0x10b: {  	v20 =	vld.idx.msk [tilespmem:v21+s7+$0x0], $0xffff;
	v15 =	vbroadcast v33, $0x6;
	v18 =	vadd.f32 v22, v18;
	v22 =	vmul.f32 v16, v14  }
0x10c: {  	v29 =	vld.idx.msk [tilespmem:v21+s22+$0x0], $0xffff;
	v23 =	vmul.f32 v23, v25;
	v25 =	vor.u32 $0xA, v28  }
0x10d: {  	v21 =	vld.idx.msk [tilespmem:v21+s11+$0x0], $0xffff;
	v16 =	vbroadcast v32, $0x7;
	v18 =	vadd.f32 v22, v18;
	v22 =	vmul.f32 v17, v15  }
0x10e: {  	v19 =	vmul.f32 v19, v26;
	v30 =	vld.idx.msk [tilespmem:v24+s0+$0x0], $0xffff  }
0x10f: {  	v17 =	vbroadcast v33, $0x7;
	v23 =	vmul.f32 v23, v16;
	v26 =	vld.idx.msk [tilespmem:v24+s7+$0x0], $0xffff;
	v22 =	vadd.f32 v22, v18  }
0x110: {  	v31 =	vld.idx.msk [tilespmem:v24+s22+$0x0], $0xffff;
	v20 =	vmul.f32 v20, v27;
	v27 =	vor.u32 $0xB, v28  }
0x111: {  	v24 =	vld.idx.msk [tilespmem:v24+s11+$0x0], $0xffff;
	v18 =	vbroadcast v32, $0x8;
	v22 =	vadd.f32 v23, v22;
	v23 =	vmul.f32 v19, v17  }
0x112: {  	v34 =	vld.idx.msk [tilespmem:v25+s0+$0x0], $0xffff;
	v21 =	vmul.f32 v21, v29  }
0x113: {  	v29 =	vld.idx.msk [tilespmem:v25+s7+$0x0], $0xffff;
	v19 =	vbroadcast v33, $0x8;
	v22 =	vadd.f32 v23, v22;
	v23 =	vmul.f32 v20, v18  }
0x114: {  	v35 =	vld.idx.msk [tilespmem:v25+s22+$0x0], $0xffff;
	v26 =	vmul.f32 v26, v30;
	v30 =	vor.u32 $0xC, v28  }
0x115: {  	v25 =	vld.idx.msk [tilespmem:v25+s11+$0x0], $0xffff;
	v20 =	vbroadcast v32, $0x9;
	v22 =	vadd.f32 v23, v22;
	v23 =	vmul.f32 v21, v19  }
0x116: {  	v36 =	vld.idx.msk [tilespmem:v27+s0+$0x0], $0xffff;
	v24 =	vmul.f32 v24, v31  }
0x117: {  	v31 =	vld.idx.msk [tilespmem:v27+s7+$0x0], $0xffff;
	v21 =	vbroadcast v33, $0x9;
	v26 =	vmul.f32 v26, v20;
	v23 =	vadd.f32 v23, v22  }
0x118: {  	v49 =	vor.u32 $0xD, v28;
	v37 =	vld.idx.msk [tilespmem:v27+s22+$0x0], $0xffff;
	v29 =	vmul.f32 v29, v34  }
0x119: {  	v27 =	vld.idx.msk [tilespmem:v27+s11+$0x0], $0xffff;
	v22 =	vbroadcast v32, $0xA;
	v24 =	vmul.f32 v24, v21;
	v26 =	vadd.f32 v26, v23  }
0x11a: {  	v25 =	vmul.f32 v25, v35;
	v38 =	vld.idx.msk [tilespmem:v30+s0+$0x0], $0xffff  }
0x11b: {  	v50 =	vld.idx.msk [tilespmem:v30+s7+$0x0], $0xffff;
	v23 =	vbroadcast v33, $0xA;
	v29 =	vmul.f32 v29, v22;
	v26 =	vadd.f32 v24, v26  }
0x11c: {  	v51 =	vor.u32 $0xE, v28;
	v39 =	vld.idx.msk [tilespmem:v30+s22+$0x0], $0xffff;
	v31 =	vmul.f32 v31, v36  }
0x11d: {  	v30 =	vld.idx.msk [tilespmem:v30+s11+$0x0], $0xffff;
	v24 =	vbroadcast v32, $0xB;
	v26 =	vadd.f32 v29, v26;
	v29 =	vmul.f32 v25, v23  }
0x11e: {  	v40 =	vld.idx.msk [tilespmem:v49+s0+$0x0], $0xffff;
	v27 =	vmul.f32 v27, v37  }
0x11f: {  	v52 =	vld.idx.msk [tilespmem:v49+s7+$0x0], $0xffff;
	v25 =	vbroadcast v33, $0xB;
	v31 =	vmul.f32 v31, v24;
	v29 =	vadd.f32 v29, v26  }
0x120: {  	v53 =	vor.u32 $0xF, v28;
	v41 =	vld.idx.msk [tilespmem:v49+s22+$0x0], $0xffff;
	v35 =	vmul.f32 v50, v38  }
0x121: {  	v34 =	vld.idx.msk [tilespmem:v49+s11+$0x0], $0xffff;
	v26 =	vbroadcast v32, $0xC;
	v29 =	vadd.f32 v31, v29;
	v31 =	vmul.f32 v27, v25  }
0x122: {  	v42 =	vld.idx.msk [tilespmem:v51+s0+$0x0], $0xffff;
	v30 =	vmul.f32 v30, v39  }
0x123: {  	v54 =	vld.idx.msk [tilespmem:v51+s7+$0x0], $0xffff;
	v27 =	vbroadcast v33, $0xC;
	v29 =	vadd.f32 v31, v29;
	v31 =	vmul.f32 v35, v26  }
0x124: {  	v55 =	vld.idx.msk [tilespmem:v51+s22+$0x0], $0xffff;
	v28 =	vbroadcast v32, $0xD  }
0x125: {  	v37 =	vmul.f32 v52, v40;
	v36 =	vld.idx.msk [tilespmem:v51+s11+$0x0], $0xffff;
	v30 =	vmul.f32 v30, v27;
	v31 =	vadd.f32 v31, v29  }
0x126: {  	v56 =	vld.idx.msk [tilespmem:v53+s0+$0x0], $0xffff;
	v34 =	vmul.f32 v34, v41  }
0x127: {  	v57 =	vld.idx.msk [tilespmem:v53+s7+$0x0], $0xffff;
	v37 =	vmul.f32 v37, v28;
	v29 =	vbroadcast v33, $0xD;
	v31 =	vadd.f32 v30, v31  }
0x128: {  	v35 =	vmul.f32 v54, v42  }
0x129: {  	v30 =	vbroadcast v32, $0xE;
	v34 =	vmul.f32 v34, v29;
	v37 =	vadd.f32 v37, v31  }
0x12a: {  	v43 =	vld.idx.msk [tilespmem:v53+s22+$0x0], $0xffff;
	v36 =	vmul.f32 v36, v55  }
0x12b: {  	v38 =	vld.idx.msk [tilespmem:v53+s11+$0x0], $0xffff;
	v31 =	vbroadcast v33, $0xE;
	v35 =	vmul.f32 v35, v30;
	v34 =	vadd.f32 v34, v37  }
0x12c: {  	v59 =	vmul.f32 v57, v56  }
0x12d: {  	v32 =	vbroadcast v32, $0xF;
	v58 =	vmul.f32 v36, v31;
	v34 =	vadd.f32 v35, v34  }
0x12e: {  	s19 =	simm.s32 $0x10  }
0x12f: {  	v62 =	vmov s19;
	v60 =	vmul.f32 v59, v32;
	v34 =	vadd.f32 v58, v34  }
0x130: {  	v61 =	vmul.f32 v38, v43;
	v33 =	vbroadcast v33, $0xF;
	v37 =	vshll.u32 v62, $0x4  }
0x131: {  	v63 =	vadd.f32 v60, v34;
	v34 =	vor.u32 v0, v37  }
0x132: {  	v36 =	vmul.f32 v61, v33;
	v35 =	vor.u32 $0x1, v34;
	_ =	sdelay $0x1  }
0x133: {  	v36 =	vadd.f32 v36, v63  }
0x134: {  	s18 =	simm.s32 $0x8C30;
	s19 =	simm.s32 $0x20  }
.LBB2_2:
0x135: {  	p0 =	sne.s32 s19, $0x1F0;
	[tilespmem:s18+$0x0] =	vst v36  }
0x136: {  	v36 =	vld.idx.msk [tilespmem:v35+s0+$0x0], $0xffff  }
0x137: {  	s16 =	sadd.s32 $0x10, s16;
	v37 =	vld.idx.msk [tilespmem:v34+s22+$0x0], $0xffff  }
0x138: {  	v38 =	vld [tilespmem:s16+$0x0]  }
0x139: {  	s17 =	sadd.s32 $0x10, s17;
	v39 =	vld.idx.msk [tilespmem:v34+s0+$0x0], $0xffff  }
0x13a: {  	v40 =	vld [tilespmem:s17+$0x0]  }
0x13b: {  	s14 =	sadd.s32 $0x10, s14;
	v41 =	vld.idx.msk [tilespmem:v34+s7+$0x0], $0xffff  }
0x13c: {  	v42 =	vld [tilespmem:s14+$0x0]  }
0x13d: {  	v44 =	vor.u32 $0x2, v34;
	s15 =	sadd.s32 $0x10, s15;
	v38 =	vadd.f32 v38, v1;
	v43 =	vld.idx.msk [tilespmem:v34+s11+$0x0], $0xffff  }
0x13e: {  	v45 =	vld [tilespmem:s15+$0x0]  }
0x13f: {  	v38 =	vadd.f32 v40, v38;
	v40 =	vld.idx.msk [tilespmem:v35+s7+$0x0], $0xffff  }
0x140: {  	v46 =	vld.idx.msk [tilespmem:v35+s22+$0x0], $0xffff  }
0x141: {  	v39 =	vmul.f32 v41, v39;
	v41 =	vor.u32 $0x3, v34;
	v38 =	vadd.f32 v42, v38;
	v35 =	vld.idx.msk [tilespmem:v35+s11+$0x0], $0xffff  }
0x142: {  	v42 =	vld.idx.msk [tilespmem:v44+s0+$0x0], $0xffff  }
0x143: {  	v39 =	vmul.f32 v39, v3;
	v37 =	vmul.f32 v43, v37;
	v38 =	vadd.f32 v45, v38;
	v43 =	vld.idx.msk [tilespmem:v44+s7+$0x0], $0xffff  }
0x144: {  	v47 =	vor.u32 $0x4, v34;
	v45 =	vld.idx.msk [tilespmem:v44+s22+$0x0], $0xffff  }
0x145: {  	v37 =	vmul.f32 v37, v2;
	v36 =	vmul.f32 v40, v36;
	v38 =	vadd.f32 v39, v38;
	v39 =	vld.idx.msk [tilespmem:v44+s11+$0x0], $0xffff  }
0x146: {  	v40 =	vld.idx.msk [tilespmem:v41+s0+$0x0], $0xffff  }
0x147: {  	v36 =	vmul.f32 v36, v4;
	v35 =	vmul.f32 v35, v46;
	v37 =	vadd.f32 v37, v38;
	v38 =	vld.idx.msk [tilespmem:v41+s7+$0x0], $0xffff  }
0x148: {  	v46 =	vor.u32 $0x5, v34;
	v44 =	vld.idx.msk [tilespmem:v41+s22+$0x0], $0xffff  }
0x149: {  	v35 =	vmul.f32 v35, v5;
	v36 =	vadd.f32 v36, v37;
	v37 =	vmul.f32 v43, v42;
	v41 =	vld.idx.msk [tilespmem:v41+s11+$0x0], $0xffff  }
0x14a: {  	v42 =	vld.idx.msk [tilespmem:v47+s0+$0x0], $0xffff  }
0x14b: {  	v35 =	vadd.f32 v35, v36;
	v36 =	vmul.f32 v37, v6;
	v37 =	vmul.f32 v39, v45;
	v39 =	vld.idx.msk [tilespmem:v47+s7+$0x0], $0xffff  }
0x14c: {  	v45 =	vor.u32 $0x6, v34;
	v43 =	vld.idx.msk [tilespmem:v47+s22+$0x0], $0xffff  }
0x14d: {  	v35 =	vadd.f32 v36, v35;
	v36 =	vmul.f32 v37, v7;
	v37 =	vmul.f32 v38, v40;
	v38 =	vld.idx.msk [tilespmem:v47+s11+$0x0], $0xffff  }
0x14e: {  	v40 =	vld.idx.msk [tilespmem:v46+s0+$0x0], $0xffff  }
0x14f: {  	v35 =	vadd.f32 v36, v35;
	v36 =	vmul.f32 v37, v8;
	v37 =	vmul.f32 v41, v44;
	v41 =	vld.idx.msk [tilespmem:v46+s7+$0x0], $0xffff  }
0x150: {  	v47 =	vor.u32 $0x7, v34;
	v44 =	vld.idx.msk [tilespmem:v46+s22+$0x0], $0xffff  }
0x151: {  	v35 =	vadd.f32 v36, v35;
	v36 =	vmul.f32 v37, v9;
	v37 =	vmul.f32 v39, v42;
	v39 =	vld.idx.msk [tilespmem:v46+s11+$0x0], $0xffff  }
0x152: {  	v42 =	vld.idx.msk [tilespmem:v45+s0+$0x0], $0xffff  }
0x153: {  	v35 =	vadd.f32 v36, v35;
	v36 =	vmul.f32 v37, v10;
	v37 =	vmul.f32 v38, v43;
	v38 =	vld.idx.msk [tilespmem:v45+s7+$0x0], $0xffff  }
0x154: {  	v46 =	vor.u32 $0x8, v34;
	v43 =	vld.idx.msk [tilespmem:v45+s22+$0x0], $0xffff  }
0x155: {  	v35 =	vadd.f32 v36, v35;
	v36 =	vmul.f32 v37, v11;
	v37 =	vmul.f32 v41, v40;
	v40 =	vld.idx.msk [tilespmem:v45+s11+$0x0], $0xffff  }
0x156: {  	v41 =	vld.idx.msk [tilespmem:v47+s0+$0x0], $0xffff  }
0x157: {  	v35 =	vadd.f32 v36, v35;
	v36 =	vmul.f32 v37, v12;
	v37 =	vmul.f32 v39, v44;
	v39 =	vld.idx.msk [tilespmem:v47+s7+$0x0], $0xffff  }
0x158: {  	v45 =	vor.u32 $0x9, v34;
	v44 =	vld.idx.msk [tilespmem:v47+s22+$0x0], $0xffff  }
0x159: {  	v35 =	vadd.f32 v36, v35;
	v36 =	vmul.f32 v37, v13;
	v37 =	vmul.f32 v38, v42;
	v38 =	vld.idx.msk [tilespmem:v47+s11+$0x0], $0xffff  }
0x15a: {  	v42 =	vld.idx.msk [tilespmem:v46+s0+$0x0], $0xffff  }
0x15b: {  	v35 =	vadd.f32 v36, v35;
	v36 =	vmul.f32 v37, v14;
	v37 =	vmul.f32 v40, v43;
	v40 =	vld.idx.msk [tilespmem:v46+s7+$0x0], $0xffff  }
0x15c: {  	v47 =	vor.u32 $0xA, v34;
	v43 =	vld.idx.msk [tilespmem:v46+s22+$0x0], $0xffff  }
0x15d: {  	v35 =	vadd.f32 v36, v35;
	v36 =	vmul.f32 v37, v15;
	v37 =	vmul.f32 v39, v41;
	v39 =	vld.idx.msk [tilespmem:v46+s11+$0x0], $0xffff  }
0x15e: {  	v41 =	vld.idx.msk [tilespmem:v45+s0+$0x0], $0xffff  }
0x15f: {  	v35 =	vadd.f32 v36, v35;
	v36 =	vmul.f32 v37, v16;
	v37 =	vmul.f32 v38, v44;
	v38 =	vld.idx.msk [tilespmem:v45+s7+$0x0], $0xffff  }
0x160: {  	v46 =	vor.u32 $0xB, v34;
	v44 =	vld.idx.msk [tilespmem:v45+s22+$0x0], $0xffff  }
0x161: {  	v35 =	vadd.f32 v36, v35;
	v36 =	vmul.f32 v37, v17;
	v37 =	vmul.f32 v40, v42;
	v40 =	vld.idx.msk [tilespmem:v45+s11+$0x0], $0xffff  }
0x162: {  	v42 =	vld.idx.msk [tilespmem:v47+s0+$0x0], $0xffff  }
0x163: {  	v35 =	vadd.f32 v36, v35;
	v36 =	vmul.f32 v37, v18;
	v37 =	vmul.f32 v39, v43;
	v39 =	vld.idx.msk [tilespmem:v47+s7+$0x0], $0xffff  }
0x164: {  	v45 =	vor.u32 $0xC, v34;
	v43 =	vld.idx.msk [tilespmem:v47+s22+$0x0], $0xffff  }
0x165: {  	v35 =	vadd.f32 v36, v35;
	v36 =	vmul.f32 v37, v19;
	v37 =	vmul.f32 v38, v41;
	v38 =	vld.idx.msk [tilespmem:v47+s11+$0x0], $0xffff  }
0x166: {  	v41 =	vld.idx.msk [tilespmem:v46+s0+$0x0], $0xffff  }
0x167: {  	v35 =	vadd.f32 v36, v35;
	v36 =	vmul.f32 v37, v20;
	v37 =	vmul.f32 v40, v44;
	v40 =	vld.idx.msk [tilespmem:v46+s7+$0x0], $0xffff  }
0x168: {  	v47 =	vor.u32 $0xD, v34;
	v44 =	vld.idx.msk [tilespmem:v46+s22+$0x0], $0xffff  }
0x169: {  	v35 =	vadd.f32 v36, v35;
	v36 =	vmul.f32 v37, v21;
	v37 =	vmul.f32 v39, v42;
	v39 =	vld.idx.msk [tilespmem:v46+s11+$0x0], $0xffff  }
0x16a: {  	v42 =	vld.idx.msk [tilespmem:v45+s0+$0x0], $0xffff  }
0x16b: {  	v35 =	vadd.f32 v36, v35;
	v36 =	vmul.f32 v37, v22;
	v37 =	vmul.f32 v38, v43;
	v38 =	vld.idx.msk [tilespmem:v45+s7+$0x0], $0xffff  }
0x16c: {  	v46 =	vor.u32 $0xE, v34;
	v43 =	vld.idx.msk [tilespmem:v45+s22+$0x0], $0xffff  }
0x16d: {  	v35 =	vadd.f32 v36, v35;
	v36 =	vmul.f32 v37, v23;
	v37 =	vmul.f32 v40, v41;
	v40 =	vld.idx.msk [tilespmem:v45+s11+$0x0], $0xffff  }
0x16e: {  	v41 =	vld.idx.msk [tilespmem:v47+s0+$0x0], $0xffff  }
0x16f: {  	v35 =	vadd.f32 v36, v35;
	v36 =	vmul.f32 v37, v24;
	v37 =	vmul.f32 v39, v44;
	v39 =	vld.idx.msk [tilespmem:v47+s7+$0x0], $0xffff  }
0x170: {  	v34 =	vor.u32 $0xF, v34;
	v44 =	vld.idx.msk [tilespmem:v47+s22+$0x0], $0xffff  }
0x171: {  	v35 =	vadd.f32 v36, v35;
	v36 =	vmul.f32 v37, v25;
	v37 =	vmul.f32 v38, v42;
	v38 =	vld.idx.msk [tilespmem:v47+s11+$0x0], $0xffff  }
0x172: {  	v42 =	vld.idx.msk [tilespmem:v46+s0+$0x0], $0xffff  }
0x173: {  	v35 =	vadd.f32 v36, v35;
	v36 =	vmul.f32 v37, v26;
	v37 =	vmul.f32 v40, v43;
	v40 =	vld.idx.msk [tilespmem:v46+s7+$0x0], $0xffff  }
0x174: {  	v43 =	vld.idx.msk [tilespmem:v46+s22+$0x0], $0xffff  }
0x175: {  	v35 =	vadd.f32 v36, v35;
	v36 =	vmul.f32 v37, v27;
	v37 =	vmul.f32 v39, v41;
	v39 =	vld.idx.msk [tilespmem:v46+s11+$0x0], $0xffff  }
0x176: {  	v41 =	vld.idx.msk [tilespmem:v34+s0+$0x0], $0xffff  }
0x177: {  	v35 =	vadd.f32 v36, v35;
	v36 =	vmul.f32 v37, v28;
	v37 =	vmul.f32 v38, v44;
	v38 =	vld.idx.msk [tilespmem:v34+s7+$0x0], $0xffff  }
0x178: {  	v44 =	vld.idx.msk [tilespmem:v34+s22+$0x0], $0xffff  }
0x179: {  	v35 =	vadd.f32 v36, v35;
	v36 =	vmul.f32 v37, v29;
	v37 =	vmul.f32 v40, v42;
	v34 =	vld.idx.msk [tilespmem:v34+s11+$0x0], $0xffff;
	_ =	sdelay $0x1  }
0x17a: {  	v35 =	vadd.f32 v36, v35;
	v36 =	vmul.f32 v37, v30;
	v37 =	vmul.f32 v39, v43  }
0x17b: {  	v39 =	vmov s19  }
0x17c: {  	v35 =	vadd.f32 v36, v35;
	v36 =	vmul.f32 v37, v31;
	v37 =	vmul.f32 v38, v41  }
0x17d: {  	v38 =	vshll.u32 v39, $0x4  }
0x17e: {  	v39 =	vmul.f32 v34, v44;
	v36 =	vadd.f32 v36, v35;
	v37 =	vmul.f32 v37, v32  }
.Ltmp0:
0x17f: {  	v34 =	vor.u32 v0, v38;
	(pc) =	sbr.rel @p0 .LBB2_2-.Ltmp0, $3  }
0x180: {  	v35 =	vor.u32 $0x1, v34;
	v36 =	vadd.f32 v37, v36;
	v37 =	vmul.f32 v39, v33;
	_ =	sdelay $0x1  }
0x181: {  	v36 =	vadd.f32 v37, v36  }
0x182: {  	s18 =	sadd.s32 $0x10, s18;
	s19 =	sadd.s32 $0x10, s19  }
0x183: {  	_ =	sdelay $0x2  }
0x184: {  	[tilespmem:s18+$0x0] =	vst v36  }
0x185: {  	s16 =	sadd.s32 $0x10, s16;
	v36 =	vld.idx.msk [tilespmem:v34+s22+$0x0], $0xffff  }
0x186: {  	v37 =	vld [tilespmem:s16+$0x0]  }
0x187: {  	s19 =	sadd.s32 $0x10, s17;
	v38 =	vld.idx.msk [tilespmem:v34+s0+$0x0], $0xffff  }
0x188: {  	v39 =	vld [tilespmem:s19+$0x0]  }
0x189: {  	s14 =	sadd.s32 $0x10, s14;
	v40 =	vld.idx.msk [tilespmem:v34+s7+$0x0], $0xffff  }
0x18a: {  	v41 =	vld [tilespmem:s14+$0x0]  }
0x18b: {  	s17 =	sadd.s32 $0x10, s15;
	v51 =	vld.idx.msk [tilespmem:v34+s11+$0x0], $0xffff;
	v1 =	vadd.f32 v37, v1  }
0x18c: {  	v42 =	vor.u32 $0x2, v34;
	v43 =	vld [tilespmem:s17+$0x0]  }
0x18d: {  	v44 =	vld.idx.msk [tilespmem:v35+s0+$0x0], $0xffff;
	v1 =	vadd.f32 v39, v1  }
0x18e: {  	v52 =	vld.idx.msk [tilespmem:v35+s7+$0x0], $0xffff  }
0x18f: {  	v45 =	vld.idx.msk [tilespmem:v35+s22+$0x0], $0xffff;
	v38 =	vmul.f32 v40, v38;
	v1 =	vadd.f32 v41, v1  }
0x190: {  	v54 =	vor.u32 $0x3, v34;
	v53 =	vld.idx.msk [tilespmem:v35+s11+$0x0], $0xffff  }
0x191: {  	v55 =	vld.idx.msk [tilespmem:v42+s0+$0x0], $0xffff;
	v36 =	vmul.f32 v51, v36;
	v3 =	vmul.f32 v38, v3;
	v1 =	vadd.f32 v43, v1  }
0x192: {  	v56 =	vld.idx.msk [tilespmem:v42+s7+$0x0], $0xffff  }
0x193: {  	v57 =	vld.idx.msk [tilespmem:v42+s22+$0x0], $0xffff;
	v2 =	vmul.f32 v36, v2;
	v1 =	vadd.f32 v3, v1;
	v3 =	vmul.f32 v52, v44  }
0x194: {  	v58 =	vor.u32 $0x4, v34;
	v59 =	vld.idx.msk [tilespmem:v42+s11+$0x0], $0xffff  }
0x195: {  	v60 =	vld.idx.msk [tilespmem:v54+s0+$0x0], $0xffff;
	v1 =	vadd.f32 v2, v1;
	v2 =	vmul.f32 v3, v4;
	v3 =	vmul.f32 v53, v45  }
0x196: {  	v61 =	vld.idx.msk [tilespmem:v54+s7+$0x0], $0xffff  }
0x197: {  	v62 =	vld.idx.msk [tilespmem:v54+s22+$0x0], $0xffff;
	v1 =	vadd.f32 v2, v1;
	v2 =	vmul.f32 v3, v5;
	v3 =	vmul.f32 v56, v55  }
0x198: {  	v63 =	vor.u32 $0x5, v34;
	v44 =	vld.idx.msk [tilespmem:v54+s11+$0x0], $0xffff  }
0x199: {  	v46 =	vld.idx.msk [tilespmem:v58+s7+$0x0], $0xffff;
	v1 =	vadd.f32 v2, v1;
	v2 =	vmul.f32 v3, v6;
	v3 =	vmul.f32 v59, v57  }
0x19a: {  	v45 =	vld.idx.msk [tilespmem:v58+s0+$0x0], $0xffff  }
0x19b: {  	v47 =	vld.idx.msk [tilespmem:v58+s22+$0x0], $0xffff;
	v1 =	vadd.f32 v2, v1;
	v2 =	vmul.f32 v3, v7;
	v3 =	vmul.f32 v61, v60  }
0x19c: {  	v48 =	vor.u32 $0x6, v34;
	v49 =	vld.idx.msk [tilespmem:v58+s11+$0x0], $0xffff  }
0x19d: {  	v50 =	vld.idx.msk [tilespmem:v63+s0+$0x0], $0xffff;
	v1 =	vadd.f32 v2, v1;
	v2 =	vmul.f32 v3, v8;
	v3 =	vmul.f32 v44, v62  }
0x19e: {  	v51 =	vld.idx.msk [tilespmem:v63+s7+$0x0], $0xffff  }
0x19f: {  	v52 =	vld.idx.msk [tilespmem:v63+s22+$0x0], $0xffff;
	v1 =	vadd.f32 v2, v1;
	v2 =	vmul.f32 v3, v9;
	v3 =	vmul.f32 v46, v45  }
0x1a0: {  	v53 =	vor.u32 $0x7, v34;
	v5 =	vld.idx.msk [tilespmem:v63+s11+$0x0], $0xffff  }
0x1a1: {  	v54 =	vld.idx.msk [tilespmem:v48+s0+$0x0], $0xffff;
	v1 =	vadd.f32 v2, v1;
	v2 =	vmul.f32 v3, v10;
	v3 =	vmul.f32 v49, v47  }
0x1a2: {  	v55 =	vld.idx.msk [tilespmem:v48+s7+$0x0], $0xffff  }
0x1a3: {  	v4 =	vld.idx.msk [tilespmem:v48+s11+$0x0], $0xffff;
	v1 =	vadd.f32 v2, v1;
	v2 =	vmul.f32 v3, v11;
	v3 =	vmul.f32 v51, v50  }
0x1a4: {  	v56 =	vld.idx.msk [tilespmem:v48+s22+$0x0], $0xffff;
	v57 =	vor.u32 $0x8, v34  }
0x1a5: {  	v58 =	vld.idx.msk [tilespmem:v53+s0+$0x0], $0xffff;
	v1 =	vadd.f32 v2, v1;
	v2 =	vmul.f32 v3, v12;
	v3 =	vmul.f32 v5, v52  }
0x1a6: {  	v59 =	vld.idx.msk [tilespmem:v53+s7+$0x0], $0xffff  }
0x1a7: {  	v6 =	vld.idx.msk [tilespmem:v53+s11+$0x0], $0xffff;
	v1 =	vadd.f32 v2, v1;
	v2 =	vmul.f32 v3, v13;
	v3 =	vmul.f32 v55, v54  }
0x1a8: {  	v60 =	vld.idx.msk [tilespmem:v53+s22+$0x0], $0xffff;
	v61 =	vor.u32 $0x9, v34  }
0x1a9: {  	v62 =	vld.idx.msk [tilespmem:v57+s0+$0x0], $0xffff;
	v1 =	vadd.f32 v2, v1;
	v2 =	vmul.f32 v3, v14;
	v3 =	vmul.f32 v4, v56  }
0x1aa: {  	v63 =	vld.idx.msk [tilespmem:v57+s7+$0x0], $0xffff  }
0x1ab: {  	v35 =	vld.idx.msk [tilespmem:v57+s22+$0x0], $0xffff;
	v1 =	vadd.f32 v2, v1;
	v2 =	vmul.f32 v3, v15;
	v3 =	vmul.f32 v59, v58  }
0x1ac: {  	v36 =	vor.u32 $0xA, v34;
	v8 =	vld.idx.msk [tilespmem:v57+s11+$0x0], $0xffff  }
0x1ad: {  	v37 =	vld.idx.msk [tilespmem:v61+s0+$0x0], $0xffff;
	v1 =	vadd.f32 v2, v1;
	v2 =	vmul.f32 v3, v16;
	v3 =	vmul.f32 v6, v60  }
0x1ae: {  	v38 =	vld.idx.msk [tilespmem:v61+s7+$0x0], $0xffff  }
0x1af: {  	v39 =	vld.idx.msk [tilespmem:v61+s22+$0x0], $0xffff;
	v1 =	vadd.f32 v2, v1;
	v2 =	vmul.f32 v3, v17;
	v3 =	vmul.f32 v63, v62  }
0x1b0: {  	v40 =	vor.u32 $0xB, v34;
	v7 =	vld.idx.msk [tilespmem:v61+s11+$0x0], $0xffff  }
0x1b1: {  	v41 =	vld.idx.msk [tilespmem:v36+s0+$0x0], $0xffff;
	v1 =	vadd.f32 v2, v1;
	v2 =	vmul.f32 v3, v18;
	v3 =	vmul.f32 v8, v35  }
0x1b2: {  	v42 =	vld.idx.msk [tilespmem:v36+s7+$0x0], $0xffff  }
0x1b3: {  	v43 =	vld.idx.msk [tilespmem:v36+s22+$0x0], $0xffff;
	v1 =	vadd.f32 v2, v1;
	v2 =	vmul.f32 v3, v19;
	v3 =	vmul.f32 v38, v37  }
0x1b4: {  	v44 =	vor.u32 $0xC, v34;
	v5 =	vld.idx.msk [tilespmem:v36+s11+$0x0], $0xffff  }
0x1b5: {  	v45 =	vld.idx.msk [tilespmem:v40+s0+$0x0], $0xffff;
	v1 =	vadd.f32 v2, v1;
	v2 =	vmul.f32 v3, v20;
	v3 =	vmul.f32 v7, v39  }
0x1b6: {  	v46 =	vld.idx.msk [tilespmem:v40+s7+$0x0], $0xffff  }
0x1b7: {  	v47 =	vld.idx.msk [tilespmem:v40+s22+$0x0], $0xffff;
	v1 =	vadd.f32 v2, v1;
	v2 =	vmul.f32 v3, v21;
	v3 =	vmul.f32 v42, v41  }
0x1b8: {  	v48 =	vor.u32 $0xD, v34;
	v4 =	vld.idx.msk [tilespmem:v40+s11+$0x0], $0xffff  }
0x1b9: {  	v49 =	vld.idx.msk [tilespmem:v44+s0+$0x0], $0xffff;
	v1 =	vadd.f32 v2, v1;
	v2 =	vmul.f32 v3, v22;
	v3 =	vmul.f32 v5, v43  }
0x1ba: {  	v50 =	vld.idx.msk [tilespmem:v44+s7+$0x0], $0xffff  }
0x1bb: {  	v51 =	vld.idx.msk [tilespmem:v44+s22+$0x0], $0xffff;
	v1 =	vadd.f32 v2, v1;
	v2 =	vmul.f32 v3, v23;
	v3 =	vmul.f32 v46, v45  }
0x1bc: {  	v52 =	vor.u32 $0xE, v34;
	v6 =	vld.idx.msk [tilespmem:v44+s11+$0x0], $0xffff  }
0x1bd: {  	v53 =	vld.idx.msk [tilespmem:v48+s0+$0x0], $0xffff;
	v1 =	vadd.f32 v2, v1;
	v2 =	vmul.f32 v3, v24;
	v3 =	vmul.f32 v4, v47  }
0x1be: {  	v54 =	vld.idx.msk [tilespmem:v48+s7+$0x0], $0xffff  }
0x1bf: {  	v55 =	vld.idx.msk [tilespmem:v48+s22+$0x0], $0xffff;
	v1 =	vadd.f32 v2, v1;
	v2 =	vmul.f32 v3, v25;
	v3 =	vmul.f32 v50, v49  }
0x1c0: {  	v56 =	vor.u32 $0xF, v34;
	v8 =	vld.idx.msk [tilespmem:v48+s11+$0x0], $0xffff  }
0x1c1: {  	v57 =	vld.idx.msk [tilespmem:v52+s0+$0x0], $0xffff;
	v1 =	vadd.f32 v2, v1;
	v2 =	vmul.f32 v3, v26;
	v3 =	vmul.f32 v6, v51  }
0x1c2: {  	v58 =	vld.idx.msk [tilespmem:v52+s7+$0x0], $0xffff  }
0x1c3: {  	v59 =	vld.idx.msk [tilespmem:v52+s22+$0x0], $0xffff;
	v1 =	vadd.f32 v2, v1;
	v2 =	vmul.f32 v3, v27;
	v3 =	vmul.f32 v54, v53  }
0x1c4: {  	v60 =	vld.idx.msk [tilespmem:v52+s11+$0x0], $0xffff  }
0x1c5: {  	v61 =	vld.idx.msk [tilespmem:v56+s0+$0x0], $0xffff;
	v1 =	vadd.f32 v2, v1;
	v2 =	vmul.f32 v3, v28;
	v3 =	vmul.f32 v8, v55  }
0x1c6: {  	v62 =	vld.idx.msk [tilespmem:v56+s7+$0x0], $0xffff  }
0x1c7: {  	v63 =	vld.idx.msk [tilespmem:v56+s22+$0x0], $0xffff;
	v1 =	vadd.f32 v2, v1;
	v2 =	vmul.f32 v3, v29;
	v3 =	vmul.f32 v58, v57  }
0x1c8: {  	v5 =	vld.idx.msk [tilespmem:v56+s11+$0x0], $0xffff  }
0x1c9: {  	v1 =	vadd.f32 v2, v1;
	v2 =	vmul.f32 v3, v30;
	v3 =	vmul.f32 v60, v59;
	_ =	sdelay $0x1  }
0x1ca: {  	v1 =	vadd.f32 v2, v1;
	v2 =	vmul.f32 v3, v31;
	v3 =	vmul.f32 v62, v61;
	_ =	sdelay $0x1  }
0x1cb: {  	v1 =	vadd.f32 v2, v1;
	v2 =	vmul.f32 v3, v32;
	v3 =	vmul.f32 v5, v63;
	_ =	sdelay $0x1  }
0x1cc: {  	v1 =	vadd.f32 v2, v1;
	v2 =	vmul.f32 v3, v33;
	_ =	sdelay $0x1  }
0x1cd: {  	s13 =	sadd.s32 $0x1, s13;
	v1 =	vadd.f32 v2, v1  }
0x1ce: {  	s18 =	sadd.s32 $0x10, s18;
	p0 =	sne.s32 s13, s21  }
.Ltmp1:
0x1cf: {  	s19 =	simm.s32 $0x8C30;
	[tilespmem:s18+$0x0] =	vst v1;
	(pc) =	sbr.rel @p0 .LBB2_1-.Ltmp1, $4  }
0x1d0: {  	[hbm4b:s20+s2] =	stream.linear.scatter [tilespmem:s19], [sflag:$0x2], $0x200, $0x38;
	[tilespmem:$0x8E30] =	vst v63  }
0x1d1: {  	_ =	swait.ge [sflag:s12], $0x200  }
0x1d2: {  	[sflag:s12] =	ssyncset.done $0x0  }
0x1d3: {  	[sflag:s12] =	ssyncadd.s32 $0xFFFFFE00  }
0x1d4: {  	_ =	sfence.sel $0x180000  }
0x1d5: {  	[bflag:$0x0] =	sbarrier.arrive $0xFFFF  }
0x1d6: {  	_ =	strace $0x90000047  }
0x1d7: {  	s0 =	stileid.u32;
	[bflag:$0x2] =	sbarrier.arrive $0xFFFF  }
0x1d8: {  	p0 =	sne.s32 s0, $0x0;
	s0 =	rddreg [dreg:$0x4]  }
0x1d9: {  	s0 =	sadd.s32 @!p0 $0x100000, s0  }
0x1da: {  	[sflag:s0] =	ssyncadd.tile.s32 @!p0 $0x1;
	_ =	shalt  }
.Lfunc_end2:
_tile_overlayer_lowered:
.L_overlay_start_2:
0x1db: {  	(tag) =	ssettag $0x2  }
0x1dc: {  	s0 =	rddreg [dreg:$0x0];
	s2 =	stileid.u32  }
0x1dd: {  	s1 =	rddreg [dreg:$0x1];
	p0 =	sne.s32 s2, $0x0  }
0x1de: {  	s3 =	rddreg [dreg:$0x2];
	[bflag:$0x3] =	sbarrier.arrive $0xFFFF;
	s2 =	simm.s32 @!p0 $0x1C02  }
0x1df: {  	[timem:s3], [sflag:s2] =	dma.local @!p0 [hbm:s0], s1  }
0x1e0: {  	s0 =	simm.s32 @!p0 $0x2  }
0x1e1: {  	_ =	swait.ge @!p0 [sflag:s0], s1  }
0x1e2: {  	s1 =	ssub.s32 @!p0 $0x0, s1;
	[sflag:s0] =	ssyncset.done @!p0 $0x0  }
0x1e3: {  	[sflag:s0] =	ssyncadd.s32 @!p0 s1  }
0x1e4: {  	[bflag:$0x3] =	sbarrier.arrive $0xFFFF  }
0x1e5: {  	_ =	shalt  }

</sc_bundles>
